<compile_context>
chip_gen: v7x
topology: tpu7x:2x2x1
jax: 0.10.2.dev20260603
libtpu: 0.0.44.dev20260713+nightly
codegen_flags: <defaults>
</compile_context>

<pallas_src>
import functools

import jax
import jax.numpy as jnp
from jax import lax
from jax.experimental import pallas as pl
from jax.experimental.pallas import tpu as pltpu
from jax.experimental.pallas import tpu_sc as plsc

_NC = 2
_NS = 16
_NW = _NC * _NS

_B = 16384
_D = 16
_BPW = _B // _NW
_CHUNK = 128
_NCHUNK = _BPW // _CHUNK


def _body(table_hbm, ids_hbm, out_hbm, idx_v, rows_v, sem):
    wid = lax.axis_index("s") * _NC + lax.axis_index("c")
    base = wid * _BPW

    pltpu.sync_copy(ids_hbm.at[wid], idx_v)

    for j in range(_NCHUNK):
        for i in range(_CHUNK // 16):
            s = pl.ds(i * 16, 16)
            idx_v[j, s] = idx_v[j, s] * 2

    copies = [
        pltpu.async_copy(
            table_hbm.at[idx_v.at[j]],
            rows_v.at[pl.ds(j * _CHUNK, _CHUNK)],
            sem,
        )
        for j in range(_NCHUNK)
    ]
    for c in copies:
        c.wait()

    pltpu.sync_copy(rows_v, out_hbm.at[pl.ds(base, _BPW)])


_gather = functools.partial(
    pl.kernel,
    out_type=jax.ShapeDtypeStruct((_B, _D), jnp.int32),
    mesh=plsc.VectorSubcoreMesh(core_axis_name="c", subcore_axis_name="s"),
    scratch_types=[
        pltpu.VMEM((_NCHUNK, _CHUNK), jnp.int32),
        pltpu.VMEM((_BPW, _D), jnp.int32),
        pltpu.SemaphoreType.DMA,
    ],
    compiler_params=pltpu.CompilerParams(use_tc_tiling_on_sc=False),
)(_body)


def kernel(new_adj_info, ids, num_samples):
    del num_samples
    n = new_adj_info.shape[0]
    table2 = new_adj_info.reshape(2 * n, _D)
    ids3 = ids.reshape(_NW, _NCHUNK, _CHUNK)
    return _gather(table2, ids3)

# --- scband reference (transcript-rebuilt; emitter-appended) ---
"""Pipeline reference for scband-weight-neighbor-sampler-31507880083674 (READ-ONLY COPY).

The authoritative reference and input builder live on the scoring server;
editing this copy changes nothing except your own understanding.
"""

import jax, jax.numpy as jnp
import numpy as np

N_NODES = 100000
MAX_DEGREE = 32
BATCH = 16384
NUM_SAMPLES = 16


def setup_inputs(seed: int = 0) -> dict:
    key = jax.random.key(seed)
    k1, k2 = jax.random.split(key)
    # new_adj_info is the weight-sorted adjacency table built in __init__.
    # Its construction (sorting each row's neighbors by edge weight) is a
    # one-time numpy/python preprocessing step; at runtime it is just a
    # constant int32 table [N_NODES, MAX_DEGREE] of neighbor node ids.
    new_adj_info = jax.random.randint(k1, (N_NODES, MAX_DEGREE), 0, N_NODES, dtype=jnp.int32)
    ids = jax.random.randint(k2, (BATCH,), 0, N_NODES, dtype=jnp.int32)
    return {"new_adj_info": new_adj_info, "ids": ids, "num_samples": NUM_SAMPLES}


def reference(new_adj_info, ids, num_samples):
    # tf.nn.embedding_lookup(self.new_adj_info, ids)
    adj_lists = jnp.take(new_adj_info, ids, axis=0)
    # tf.slice(adj_lists, [0, 0], [-1, num_samples])
    adj_lists = jax.lax.dynamic_slice_in_dim(adj_lists, num_samples - NUM_SAMPLES, NUM_SAMPLES, axis=1)
    return adj_lists

if __name__ == "__main__":
    import jax
    _d = setup_inputs()
    print(jax.jit(kernel)(*tuple(_d.values())))

</pallas_src>

<mosaic_0001>
#map = affine_map<(d0, d1) -> (0, 0)>
#map1 = affine_map<(d0, d1) -> (0, 0, 0)>
module attributes {stable_mosaic.version = 14 : i64} {
  func.func @_body(%arg0: i32, %arg1: i32, %arg2: memref<200000x16xi32, #tpu.memory_space<hbm>>, %arg3: memref<32x4x128xi32, #tpu.memory_space<hbm>>, %arg4: memref<16384x16xi32, #tpu.memory_space<hbm>>, %arg5: memref<4x128xi32, #tpu.memory_space<vmem>>, %arg6: memref<512x16xi32, #tpu.memory_space<vmem>>, %arg7: memref<!tpu.dma_semaphore, #tpu.memory_space<semaphore_mem>>) attributes {dimension_semantics = [#tpu.dimension_semantics<core_parallel>, #tpu.dimension_semantics<subcore_parallel>], iteration_bounds = array<i64: 2, 16>, scalar_prefetch = 0 : i64, scratch_operands = 3 : i64, tpu.core_type = #tpu.core_type<sc_vector_subcore>, window_params = [{transform_indices = #map}, {transform_indices = #map1}, {transform_indices = #map}]} {
    %mul3A = arith.constant 2 : i32
    %mul3A_0 = arith.muli %arg1, %mul3A : i32
    %add3A = arith.addi %mul3A_0, %arg0 : i32
    %mul3A_1 = arith.constant 512 : i32
    %mul3A_2 = arith.muli %add3A, %mul3A_1 : i32
    "tpu.region"() ({
      %run_scoped3A = tpu.sem_alloc : memref<!tpu.dma_semaphore, #tpu.memory_space<semaphore_mem>>
      %dma_start3A_527 = arith.constant 0 : i32
      %dma_start3A_528 = arith.constant 0 : i32
      %dma_start3A_529 = tpu.memref_slice %arg3[%add3A, %dma_start3A_527, %dma_start3A_528] : memref<32x4x128xi32, #tpu.memory_space<hbm>> -> memref<1x4x128xi32, #tpu.memory_space<hbm>>
      %dma_start3A_530 = tpu.memref_squeeze %dma_start3A_529 : memref<1x4x128xi32, #tpu.memory_space<hbm>> -> memref<4x128xi32, #tpu.memory_space<hbm>>
      %dma_start3A_531 = arith.constant 0 : i32
      %dma_start3A_532 = arith.constant 0 : i32
      %dma_start3A_533 = tpu.memref_slice %arg3[%add3A, %dma_start3A_531, %dma_start3A_532] : memref<32x4x128xi32, #tpu.memory_space<hbm>> -> memref<1x4x128xi32, #tpu.memory_space<hbm>>
      %dma_start3A_534 = tpu.memref_squeeze %dma_start3A_533 : memref<1x4x128xi32, #tpu.memory_space<hbm>> -> memref<4x128xi32, #tpu.memory_space<hbm>>
      tpu.enqueue_dma source(%dma_start3A_534 : memref<4x128xi32, #tpu.memory_space<hbm>>) target(%arg5 : memref<4x128xi32, #tpu.memory_space<vmem>>) target_semaphore(%run_scoped3A : memref<!tpu.dma_semaphore, #tpu.memory_space<semaphore_mem>>)
      %dma_wait3A_535 = arith.constant 0 : i32
      %dma_wait3A_536 = arith.constant 0 : i32
      %dma_wait3A_537 = tpu.memref_slice %arg3[%add3A, %dma_wait3A_535, %dma_wait3A_536] : memref<32x4x128xi32, #tpu.memory_space<hbm>> -> memref<1x4x128xi32, #tpu.memory_space<hbm>>
      %dma_wait3A_538 = tpu.memref_squeeze %dma_wait3A_537 : memref<1x4x128xi32, #tpu.memory_space<hbm>> -> memref<4x128xi32, #tpu.memory_space<hbm>>
      %dma_wait3A_539 = arith.constant 0 : i32
      %dma_wait3A_540 = arith.constant 0 : i32
      %dma_wait3A_541 = tpu.memref_slice %arg3[%add3A, %dma_wait3A_539, %dma_wait3A_540] : memref<32x4x128xi32, #tpu.memory_space<hbm>> -> memref<1x4x128xi32, #tpu.memory_space<hbm>>
      %dma_wait3A_542 = tpu.memref_squeeze %dma_wait3A_541 : memref<1x4x128xi32, #tpu.memory_space<hbm>> -> memref<4x128xi32, #tpu.memory_space<hbm>>
      tpu.wait_dma2 semaphore(%run_scoped3A : memref<!tpu.dma_semaphore, #tpu.memory_space<semaphore_mem>>) src(%dma_wait3A_542 : memref<4x128xi32, #tpu.memory_space<hbm>>) dst(%arg5 : memref<4x128xi32, #tpu.memory_space<vmem>>)
      tpu.yield
    }) : () -> ()
    %get3A = arith.constant 0 : i32
    %get3A_3 = arith.index_cast %get3A : i32 to index
    %get3A_4 = arith.constant 0 : index
    %get3A_5 = tpu.vector_load %arg5[%get3A_3, %get3A_4] {strides = array<i32>} : memref<4x128xi32, #tpu.memory_space<vmem>>, vector<1x16xi32>,
    %get3A_6 = vector.shape_cast %get3A_5 : vector<1x16xi32> to vector<16xi32>
    %mul3A_7 = arith.constant 2 : i32
    %mul3A_8 = vector.broadcast %mul3A_7 : i32 to vector<16xi32>
    %mul3A_9 = arith.muli %get3A_6, %mul3A_8 : vector<16xi32>
    %swap3A = arith.constant 0 : i32
    %swap3A_10 = arith.index_cast %swap3A : i32 to index
    %swap3A_11 = arith.constant 0 : index
    %swap3A_12 = tpu.vector_load %arg5[%swap3A_10, %swap3A_11] {strides = array<i32>} : memref<4x128xi32, #tpu.memory_space<vmem>>, vector<1x16xi32>,
    %swap3A_13 = vector.shape_cast %swap3A_12 : vector<1x16xi32> to vector<16xi32>
    %swap3A_14 = vector.shape_cast %mul3A_9 : vector<16xi32> to vector<1x16xi32>
    tpu.vector_store %arg5[%swap3A_10, %swap3A_11], %swap3A_14 {strides = array<i32>} : memref<4x128xi32, #tpu.memory_space<vmem>>, vector<1x16xi32>,
    %get3A_15 = arith.constant 0 : i32
    %get3A_16 = arith.index_cast %get3A_15 : i32 to index
    %get3A_17 = arith.constant 16 : index
    %get3A_18 = tpu.vector_load %arg5[%get3A_16, %get3A_17] {strides = array<i32>} : memref<4x128xi32, #tpu.memory_space<vmem>>, vector<1x16xi32>,
    %get3A_19 = vector.shape_cast %get3A_18 : vector<1x16xi32> to vector<16xi32>
    %mul3A_20 = arith.constant 2 : i32
    %mul3A_21 = vector.broadcast %mul3A_20 : i32 to vector<16xi32>
    %mul3A_22 = arith.muli %get3A_19, %mul3A_21 : vector<16xi32>
    %swap3A_23 = arith.constant 0 : i32
    %swap3A_24 = arith.index_cast %swap3A_23 : i32 to index
    %swap3A_25 = arith.constant 16 : index
    %swap3A_26 = tpu.vector_load %arg5[%swap3A_24, %swap3A_25] {strides = array<i32>} : memref<4x128xi32, #tpu.memory_space<vmem>>, vector<1x16xi32>,
    %swap3A_27 = vector.shape_cast %swap3A_26 : vector<1x16xi32> to vector<16xi32>
    %swap3A_28 = vector.shape_cast %mul3A_22 : vector<16xi32> to vector<1x16xi32>
    tpu.vector_store %arg5[%swap3A_24, %swap3A_25], %swap3A_28 {strides = array<i32>} : memref<4x128xi32, #tpu.memory_space<vmem>>, vector<1x16xi32>,
    %get3A_29 = arith.constant 0 : i32
    %get3A_30 = arith.index_cast %get3A_29 : i32 to index
    %get3A_31 = arith.constant 32 : index
    %get3A_32 = tpu.vector_load %arg5[%get3A_30, %get3A_31] {strides = array<i32>} : memref<4x128xi32, #tpu.memory_space<vmem>>, vector<1x16xi32>,
    %get3A_33 = vector.shape_cast %get3A_32 : vector<1x16xi32> to vector<16xi32>
    %mul3A_34 = arith.constant 2 : i32
    %mul3A_35 = vector.broadcast %mul3A_34 : i32 to vector<16xi32>
    %mul3A_36 = arith.muli %get3A_33, %mul3A_35 : vector<16xi32>
    %swap3A_37 = arith.constant 0 : i32
    %swap3A_38 = arith.index_cast %swap3A_37 : i32 to index
    %swap3A_39 = arith.constant 32 : index
    %swap3A_40 = tpu.vector_load %arg5[%swap3A_38, %swap3A_39] {strides = array<i32>} : memref<4x128xi32, #tpu.memory_space<vmem>>, vector<1x16xi32>,
    %swap3A_41 = vector.shape_cast %swap3A_40 : vector<1x16xi32> to vector<16xi32>
    %swap3A_42 = vector.shape_cast %mul3A_36 : vector<16xi32> to vector<1x16xi32>
    tpu.vector_store %arg5[%swap3A_38, %swap3A_39], %swap3A_42 {strides = array<i32>} : memref<4x128xi32, #tpu.memory_space<vmem>>, vector<1x16xi32>,
    %get3A_43 = arith.constant 0 : i32
    %get3A_44 = arith.index_cast %get3A_43 : i32 to index
    %get3A_45 = arith.constant 48 : index
    %get3A_46 = tpu.vector_load %arg5[%get3A_44, %get3A_45] {strides = array<i32>} : memref<4x128xi32, #tpu.memory_space<vmem>>, vector<1x16xi32>,
    %get3A_47 = vector.shape_cast %get3A_46 : vector<1x16xi32> to vector<16xi32>
    %mul3A_48 = arith.constant 2 : i32
    %mul3A_49 = vector.broadcast %mul3A_48 : i32 to vector<16xi32>
    %mul3A_50 = arith.muli %get3A_47, %mul3A_49 : vector<16xi32>
    %swap3A_51 = arith.constant 0 : i32
    %swap3A_52 = arith.index_cast %swap3A_51 : i32 to index
    %swap3A_53 = arith.constant 48 : index
    %swap3A_54 = tpu.vector_load %arg5[%swap3A_52, %swap3A_53] {strides = array<i32>} : memref<4x128xi32, #tpu.memory_space<vmem>>, vector<1x16xi32>,
    %swap3A_55 = vector.shape_cast %swap3A_54 : vector<1x16xi32> to vector<16xi32>
    %swap3A_56 = vector.shape_cast %mul3A_50 : vector<16xi32> to vector<1x16xi32>
    tpu.vector_store %arg5[%swap3A_52, %swap3A_53], %swap3A_56 {strides = array<i32>} : memref<4x128xi32, #tpu.memory_space<vmem>>, vector<1x16xi32>,
    %get3A_57 = arith.constant 0 : i32
    %get3A_58 = arith.index_cast %get3A_57 : i32 to index
    %get3A_59 = arith.constant 64 : index
    %get3A_60 = tpu.vector_load %arg5[%get3A_58, %get3A_59] {strides = array<i32>} : memref<4x128xi32, #tpu.memory_space<vmem>>, vector<1x16xi32>,
    %get3A_61 = vector.shape_cast %get3A_60 : vector<1x16xi32> to vector<16xi32>
    %mul3A_62 = arith.constant 2 : i32
    %mul3A_63 = vector.broadcast %mul3A_62 : i32 to vector<16xi32>
    %mul3A_64 = arith.muli %get3A_61, %mul3A_63 : vector<16xi32>
    %swap3A_65 = arith.constant 0 : i32
    %swap3A_66 = arith.index_cast %swap3A_65 : i32 to index
    %swap3A_67 = arith.constant 64 : index
    %swap3A_68 = tpu.vector_load %arg5[%swap3A_66, %swap3A_67] {strides = array<i32>} : memref<4x128xi32, #tpu.memory_space<vmem>>, vector<1x16xi32>,
    %swap3A_69 = vector.shape_cast %swap3A_68 : vector<1x16xi32> to vector<16xi32>
    %swap3A_70 = vector.shape_cast %mul3A_64 : vector<16xi32> to vector<1x16xi32>
    tpu.vector_store %arg5[%swap3A_66, %swap3A_67], %swap3A_70 {strides = array<i32>} : memref<4x128xi32, #tpu.memory_space<vmem>>, vector<1x16xi32>,
    %get3A_71 = arith.constant 0 : i32
    %get3A_72 = arith.index_cast %get3A_71 : i32 to index
    %get3A_73 = arith.constant 80 : index
    %get3A_74 = tpu.vector_load %arg5[%get3A_72, %get3A_73] {strides = array<i32>} : memref<4x128xi32, #tpu.memory_space<vmem>>, vector<1x16xi32>,
    %get3A_75 = vector.shape_cast %get3A_74 : vector<1x16xi32> to vector<16xi32>
    %mul3A_76 = arith.constant 2 : i32
    %mul3A_77 = vector.broadcast %mul3A_76 : i32 to vector<16xi32>
    %mul3A_78 = arith.muli %get3A_75, %mul3A_77 : vector<16xi32>
    %swap3A_79 = arith.constant 0 : i32
    %swap3A_80 = arith.index_cast %swap3A_79 : i32 to index
    %swap3A_81 = arith.constant 80 : index
    %swap3A_82 = tpu.vector_load %arg5[%swap3A_80, %swap3A_81] {strides = array<i32>} : memref<4x128xi32, #tpu.memory_space<vmem>>, vector<1x16xi32>,
    %swap3A_83 = vector.shape_cast %swap3A_82 : vector<1x16xi32> to vector<16xi32>
    %swap3A_84 = vector.shape_cast %mul3A_78 : vector<16xi32> to vector<1x16xi32>
    tpu.vector_store %arg5[%swap3A_80, %swap3A_81], %swap3A_84 {strides = array<i32>} : memref<4x128xi32, #tpu.memory_space<vmem>>, vector<1x16xi32>,
    %get3A_85 = arith.constant 0 : i32
    %get3A_86 = arith.index_cast %get3A_85 : i32 to index
    %get3A_87 = arith.constant 96 : index
    %get3A_88 = tpu.vector_load %arg5[%get3A_86, %get3A_87] {strides = array<i32>} : memref<4x128xi32, #tpu.memory_space<vmem>>, vector<1x16xi32>,
    %get3A_89 = vector.shape_cast %get3A_88 : vector<1x16xi32> to vector<16xi32>
    %mul3A_90 = arith.constant 2 : i32
    %mul3A_91 = vector.broadcast %mul3A_90 : i32 to vector<16xi32>
    %mul3A_92 = arith.muli %get3A_89, %mul3A_91 : vector<16xi32>
    %swap3A_93 = arith.constant 0 : i32
    %swap3A_94 = arith.index_cast %swap3A_93 : i32 to index
    %swap3A_95 = arith.constant 96 : index
    %swap3A_96 = tpu.vector_load %arg5[%swap3A_94, %swap3A_95] {strides = array<i32>} : memref<4x128xi32, #tpu.memory_space<vmem>>, vector<1x16xi32>,
    %swap3A_97 = vector.shape_cast %swap3A_96 : vector<1x16xi32> to vector<16xi32>
    %swap3A_98 = vector.shape_cast %mul3A_92 : vector<16xi32> to vector<1x16xi32>
    tpu.vector_store %arg5[%swap3A_94, %swap3A_95], %swap3A_98 {strides = array<i32>} : memref<4x128xi32, #tpu.memory_space<vmem>>, vector<1x16xi32>,
    %get3A_99 = arith.constant 0 : i32
    %get3A_100 = arith.index_cast %get3A_99 : i32 to index
    %get3A_101 = arith.constant 112 : index
    %get3A_102 = tpu.vector_load %arg5[%get3A_100, %get3A_101] {strides = array<i32>} : memref<4x128xi32, #tpu.memory_space<vmem>>, vector<1x16xi32>,
    %get3A_103 = vector.shape_cast %get3A_102 : vector<1x16xi32> to vector<16xi32>
    %mul3A_104 = arith.constant 2 : i32
    %mul3A_105 = vector.broadcast %mul3A_104 : i32 to vector<16xi32>
    %mul3A_106 = arith.muli %get3A_103, %mul3A_105 : vector<16xi32>
    %swap3A_107 = arith.constant 0 : i32
    %swap3A_108 = arith.index_cast %swap3A_107 : i32 to index
    %swap3A_109 = arith.constant 112 : index
    %swap3A_110 = tpu.vector_load %arg5[%swap3A_108, %swap3A_109] {strides = array<i32>} : memref<4x128xi32, #tpu.memory_space<vmem>>, vector<1x16xi32>,
    %swap3A_111 = vector.shape_cast %swap3A_110 : vector<1x16xi32> to vector<16xi32>
    %swap3A_112 = vector.shape_cast %mul3A_106 : vector<16xi32> to vector<1x16xi32>
    tpu.vector_store %arg5[%swap3A_108, %swap3A_109], %swap3A_112 {strides = array<i32>} : memref<4x128xi32, #tpu.memory_space<vmem>>, vector<1x16xi32>,
    %get3A_113 = arith.constant 1 : i32
    %get3A_114 = arith.index_cast %get3A_113 : i32 to index
    %get3A_115 = arith.constant 0 : index
    %get3A_116 = tpu.vector_load %arg5[%get3A_114, %get3A_115] {strides = array<i32>} : memref<4x128xi32, #tpu.memory_space<vmem>>, vector<1x16xi32>,
    %get3A_117 = vector.shape_cast %get3A_116 : vector<1x16xi32> to vector<16xi32>
    %mul3A_118 = arith.constant 2 : i32
    %mul3A_119 = vector.broadcast %mul3A_118 : i32 to vector<16xi32>
    %mul3A_120 = arith.muli %get3A_117, %mul3A_119 : vector<16xi32>
    %swap3A_121 = arith.constant 1 : i32
    %swap3A_122 = arith.index_cast %swap3A_121 : i32 to index
    %swap3A_123 = arith.constant 0 : index
    %swap3A_124 = tpu.vector_load %arg5[%swap3A_122, %swap3A_123] {strides = array<i32>} : memref<4x128xi32, #tpu.memory_space<vmem>>, vector<1x16xi32>,
    %swap3A_125 = vector.shape_cast %swap3A_124 : vector<1x16xi32> to vector<16xi32>
    %swap3A_126 = vector.shape_cast %mul3A_120 : vector<16xi32> to vector<1x16xi32>
    tpu.vector_store %arg5[%swap3A_122, %swap3A_123], %swap3A_126 {strides = array<i32>} : memref<4x128xi32, #tpu.memory_space<vmem>>, vector<1x16xi32>,
    %get3A_127 = arith.constant 1 : i32
    %get3A_128 = arith.index_cast %get3A_127 : i32 to index
    %get3A_129 = arith.constant 16 : index
    %get3A_130 = tpu.vector_load %arg5[%get3A_128, %get3A_129] {strides = array<i32>} : memref<4x128xi32, #tpu.memory_space<vmem>>, vector<1x16xi32>,
    %get3A_131 = vector.shape_cast %get3A_130 : vector<1x16xi32> to vector<16xi32>
    %mul3A_132 = arith.constant 2 : i32
    %mul3A_133 = vector.broadcast %mul3A_132 : i32 to vector<16xi32>
    %mul3A_134 = arith.muli %get3A_131, %mul3A_133 : vector<16xi32>
    %swap3A_135 = arith.constant 1 : i32
    %swap3A_136 = arith.index_cast %swap3A_135 : i32 to index
    %swap3A_137 = arith.constant 16 : index
    %swap3A_138 = tpu.vector_load %arg5[%swap3A_136, %swap3A_137] {strides = array<i32>} : memref<4x128xi32, #tpu.memory_space<vmem>>, vector<1x16xi32>,
    %swap3A_139 = vector.shape_cast %swap3A_138 : vector<1x16xi32> to vector<16xi32>
    %swap3A_140 = vector.shape_cast %mul3A_134 : vector<16xi32> to vector<1x16xi32>
    tpu.vector_store %arg5[%swap3A_136, %swap3A_137], %swap3A_140 {strides = array<i32>} : memref<4x128xi32, #tpu.memory_space<vmem>>, vector<1x16xi32>,
    %get3A_141 = arith.constant 1 : i32
    %get3A_142 = arith.index_cast %get3A_141 : i32 to index
    %get3A_143 = arith.constant 32 : index
    %get3A_144 = tpu.vector_load %arg5[%get3A_142, %get3A_143] {strides = array<i32>} : memref<4x128xi32, #tpu.memory_space<vmem>>, vector<1x16xi32>,
    %get3A_145 = vector.shape_cast %get3A_144 : vector<1x16xi32> to vector<16xi32>
    %mul3A_146 = arith.constant 2 : i32
    %mul3A_147 = vector.broadcast %mul3A_146 : i32 to vector<16xi32>
    %mul3A_148 = arith.muli %get3A_145, %mul3A_147 : vector<16xi32>
    %swap3A_149 = arith.constant 1 : i32
    %swap3A_150 = arith.index_cast %swap3A_149 : i32 to index
    %swap3A_151 = arith.constant 32 : index
    %swap3A_152 = tpu.vector_load %arg5[%swap3A_150, %swap3A_151] {strides = array<i32>} : memref<4x128xi32, #tpu.memory_space<vmem>>, vector<1x16xi32>,
    %swap3A_153 = vector.shape_cast %swap3A_152 : vector<1x16xi32> to vector<16xi32>
    %swap3A_154 = vector.shape_cast %mul3A_148 : vector<16xi32> to vector<1x16xi32>
    tpu.vector_store %arg5[%swap3A_150, %swap3A_151], %swap3A_154 {strides = array<i32>} : memref<4x128xi32, #tpu.memory_space<vmem>>, vector<1x16xi32>,
    %get3A_155 = arith.constant 1 : i32
    %get3A_156 = arith.index_cast %get3A_155 : i32 to index
    %get3A_157 = arith.constant 48 : index
    %get3A_158 = tpu.vector_load %arg5[%get3A_156, %get3A_157] {strides = array<i32>} : memref<4x128xi32, #tpu.memory_space<vmem>>, vector<1x16xi32>,
    %get3A_159 = vector.shape_cast %get3A_158 : vector<1x16xi32> to vector<16xi32>
    %mul3A_160 = arith.constant 2 : i32
    %mul3A_161 = vector.broadcast %mul3A_160 : i32 to vector<16xi32>
    %mul3A_162 = arith.muli %get3A_159, %mul3A_161 : vector<16xi32>
    %swap3A_163 = arith.constant 1 : i32
    %swap3A_164 = arith.index_cast %swap3A_163 : i32 to index
    %swap3A_165 = arith.constant 48 : index
    %swap3A_166 = tpu.vector_load %arg5[%swap3A_164, %swap3A_165] {strides = array<i32>} : memref<4x128xi32, #tpu.memory_space<vmem>>, vector<1x16xi32>,
    %swap3A_167 = vector.shape_cast %swap3A_166 : vector<1x16xi32> to vector<16xi32>
    %swap3A_168 = vector.shape_cast %mul3A_162 : vector<16xi32> to vector<1x16xi32>
    tpu.vector_store %arg5[%swap3A_164, %swap3A_165], %swap3A_168 {strides = array<i32>} : memref<4x128xi32, #tpu.memory_space<vmem>>, vector<1x16xi32>,
    %get3A_169 = arith.constant 1 : i32
    %get3A_170 = arith.index_cast %get3A_169 : i32 to index
    %get3A_171 = arith.constant 64 : index
    %get3A_172 = tpu.vector_load %arg5[%get3A_170, %get3A_171] {strides = array<i32>} : memref<4x128xi32, #tpu.memory_space<vmem>>, vector<1x16xi32>,
    %get3A_173 = vector.shape_cast %get3A_172 : vector<1x16xi32> to vector<16xi32>
    %mul3A_174 = arith.constant 2 : i32
    %mul3A_175 = vector.broadcast %mul3A_174 : i32 to vector<16xi32>
    %mul3A_176 = arith.muli %get3A_173, %mul3A_175 : vector<16xi32>
    %swap3A_177 = arith.constant 1 : i32
    %swap3A_178 = arith.index_cast %swap3A_177 : i32 to index
    %swap3A_179 = arith.constant 64 : index
    %swap3A_180 = tpu.vector_load %arg5[%swap3A_178, %swap3A_179] {strides = array<i32>} : memref<4x128xi32, #tpu.memory_space<vmem>>, vector<1x16xi32>,
    %swap3A_181 = vector.shape_cast %swap3A_180 : vector<1x16xi32> to vector<16xi32>
    %swap3A_182 = vector.shape_cast %mul3A_176 : vector<16xi32> to vector<1x16xi32>
    tpu.vector_store %arg5[%swap3A_178, %swap3A_179], %swap3A_182 {strides = array<i32>} : memref<4x128xi32, #tpu.memory_space<vmem>>, vector<1x16xi32>,
    %get3A_183 = arith.constant 1 : i32
    %get3A_184 = arith.index_cast %get3A_183 : i32 to index
    %get3A_185 = arith.constant 80 : index
    %get3A_186 = tpu.vector_load %arg5[%get3A_184, %get3A_185] {strides = array<i32>} : memref<4x128xi32, #tpu.memory_space<vmem>>, vector<1x16xi32>,
    %get3A_187 = vector.shape_cast %get3A_186 : vector<1x16xi32> to vector<16xi32>
    %mul3A_188 = arith.constant 2 : i32
    %mul3A_189 = vector.broadcast %mul3A_188 : i32 to vector<16xi32>
    %mul3A_190 = arith.muli %get3A_187, %mul3A_189 : vector<16xi32>
    %swap3A_191 = arith.constant 1 : i32
    %swap3A_192 = arith.index_cast %swap3A_191 : i32 to index
    %swap3A_193 = arith.constant 80 : index
    %swap3A_194 = tpu.vector_load %arg5[%swap3A_192, %swap3A_193] {strides = array<i32>} : memref<4x128xi32, #tpu.memory_space<vmem>>, vector<1x16xi32>,
    %swap3A_195 = vector.shape_cast %swap3A_194 : vector<1x16xi32> to vector<16xi32>
    %swap3A_196 = vector.shape_cast %mul3A_190 : vector<16xi32> to vector<1x16xi32>
    tpu.vector_store %arg5[%swap3A_192, %swap3A_193], %swap3A_196 {strides = array<i32>} : memref<4x128xi32, #tpu.memory_space<vmem>>, vector<1x16xi32>,
    %get3A_197 = arith.constant 1 : i32
    %get3A_198 = arith.index_cast %get3A_197 : i32 to index
    %get3A_199 = arith.constant 96 : index
    %get3A_200 = tpu.vector_load %arg5[%get3A_198, %get3A_199] {strides = array<i32>} : memref<4x128xi32, #tpu.memory_space<vmem>>, vector<1x16xi32>,
    %get3A_201 = vector.shape_cast %get3A_200 : vector<1x16xi32> to vector<16xi32>
    %mul3A_202 = arith.constant 2 : i32
    %mul3A_203 = vector.broadcast %mul3A_202 : i32 to vector<16xi32>
    %mul3A_204 = arith.muli %get3A_201, %mul3A_203 : vector<16xi32>
    %swap3A_205 = arith.constant 1 : i32
    %swap3A_206 = arith.index_cast %swap3A_205 : i32 to index
    %swap3A_207 = arith.constant 96 : index
    %swap3A_208 = tpu.vector_load %arg5[%swap3A_206, %swap3A_207] {strides = array<i32>} : memref<4x128xi32, #tpu.memory_space<vmem>>, vector<1x16xi32>,
    %swap3A_209 = vector.shape_cast %swap3A_208 : vector<1x16xi32> to vector<16xi32>
    %swap3A_210 = vector.shape_cast %mul3A_204 : vector<16xi32> to vector<1x16xi32>
    tpu.vector_store %arg5[%swap3A_206, %swap3A_207], %swap3A_210 {strides = array<i32>} : memref<4x128xi32, #tpu.memory_space<vmem>>, vector<1x16xi32>,
    %get3A_211 = arith.constant 1 : i32
    %get3A_212 = arith.index_cast %get3A_211 : i32 to index
    %get3A_213 = arith.constant 112 : index
    %get3A_214 = tpu.vector_load %arg5[%get3A_212, %get3A_213] {strides = array<i32>} : memref<4x128xi32, #tpu.memory_space<vmem>>, vector<1x16xi32>,
    %get3A_215 = vector.shape_cast %get3A_214 : vector<1x16xi32> to vector<16xi32>
    %mul3A_216 = arith.constant 2 : i32
    %mul3A_217 = vector.broadcast %mul3A_216 : i32 to vector<16xi32>
    %mul3A_218 = arith.muli %get3A_215, %mul3A_217 : vector<16xi32>
    %swap3A_219 = arith.constant 1 : i32
    %swap3A_220 = arith.index_cast %swap3A_219 : i32 to index
    %swap3A_221 = arith.constant 112 : index
    %swap3A_222 = tpu.vector_load %arg5[%swap3A_220, %swap3A_221] {strides = array<i32>} : memref<4x128xi32, #tpu.memory_space<vmem>>, vector<1x16xi32>,
    %swap3A_223 = vector.shape_cast %swap3A_222 : vector<1x16xi32> to vector<16xi32>
    %swap3A_224 = vector.shape_cast %mul3A_218 : vector<16xi32> to vector<1x16xi32>
    tpu.vector_store %arg5[%swap3A_220, %swap3A_221], %swap3A_224 {strides = array<i32>} : memref<4x128xi32, #tpu.memory_space<vmem>>, vector<1x16xi32>,
    %get3A_225 = arith.constant 2 : i32
    %get3A_226 = arith.index_cast %get3A_225 : i32 to index
    %get3A_227 = arith.constant 0 : index
    %get3A_228 = tpu.vector_load %arg5[%get3A_226, %get3A_227] {strides = array<i32>} : memref<4x128xi32, #tpu.memory_space<vmem>>, vector<1x16xi32>,
    %get3A_229 = vector.shape_cast %get3A_228 : vector<1x16xi32> to vector<16xi32>
    %mul3A_230 = arith.constant 2 : i32
    %mul3A_231 = vector.broadcast %mul3A_230 : i32 to vector<16xi32>
    %mul3A_232 = arith.muli %get3A_229, %mul3A_231 : vector<16xi32>
    %swap3A_233 = arith.constant 2 : i32
    %swap3A_234 = arith.index_cast %swap3A_233 : i32 to index
    %swap3A_235 = arith.constant 0 : index
    %swap3A_236 = tpu.vector_load %arg5[%swap3A_234, %swap3A_235] {strides = array<i32>} : memref<4x128xi32, #tpu.memory_space<vmem>>, vector<1x16xi32>,
    %swap3A_237 = vector.shape_cast %swap3A_236 : vector<1x16xi32> to vector<16xi32>
    %swap3A_238 = vector.shape_cast %mul3A_232 : vector<16xi32> to vector<1x16xi32>
    tpu.vector_store %arg5[%swap3A_234, %swap3A_235], %swap3A_238 {strides = array<i32>} : memref<4x128xi32, #tpu.memory_space<vmem>>, vector<1x16xi32>,
    %get3A_239 = arith.constant 2 : i32
    %get3A_240 = arith.index_cast %get3A_239 : i32 to index
    %get3A_241 = arith.constant 16 : index
    %get3A_242 = tpu.vector_load %arg5[%get3A_240, %get3A_241] {strides = array<i32>} : memref<4x128xi32, #tpu.memory_space<vmem>>, vector<1x16xi32>,
    %get3A_243 = vector.shape_cast %get3A_242 : vector<1x16xi32> to vector<16xi32>
    %mul3A_244 = arith.constant 2 : i32
    %mul3A_245 = vector.broadcast %mul3A_244 : i32 to vector<16xi32>
    %mul3A_246 = arith.muli %get3A_243, %mul3A_245 : vector<16xi32>
    %swap3A_247 = arith.constant 2 : i32
    %swap3A_248 = arith.index_cast %swap3A_247 : i32 to index
    %swap3A_249 = arith.constant 16 : index
    %swap3A_250 = tpu.vector_load %arg5[%swap3A_248, %swap3A_249] {strides = array<i32>} : memref<4x128xi32, #tpu.memory_space<vmem>>, vector<1x16xi32>,
    %swap3A_251 = vector.shape_cast %swap3A_250 : vector<1x16xi32> to vector<16xi32>
    %swap3A_252 = vector.shape_cast %mul3A_246 : vector<16xi32> to vector<1x16xi32>
    tpu.vector_store %arg5[%swap3A_248, %swap3A_249], %swap3A_252 {strides = array<i32>} : memref<4x128xi32, #tpu.memory_space<vmem>>, vector<1x16xi32>,
    %get3A_253 = arith.constant 2 : i32
    %get3A_254 = arith.index_cast %get3A_253 : i32 to index
    %get3A_255 = arith.constant 32 : index
    %get3A_256 = tpu.vector_load %arg5[%get3A_254, %get3A_255] {strides = array<i32>} : memref<4x128xi32, #tpu.memory_space<vmem>>, vector<1x16xi32>,
    %get3A_257 = vector.shape_cast %get3A_256 : vector<1x16xi32> to vector<16xi32>
    %mul3A_258 = arith.constant 2 : i32
    %mul3A_259 = vector.broadcast %mul3A_258 : i32 to vector<16xi32>
    %mul3A_260 = arith.muli %get3A_257, %mul3A_259 : vector<16xi32>
    %swap3A_261 = arith.constant 2 : i32
    %swap3A_262 = arith.index_cast %swap3A_261 : i32 to index
    %swap3A_263 = arith.constant 32 : index
    %swap3A_264 = tpu.vector_load %arg5[%swap3A_262, %swap3A_263] {strides = array<i32>} : memref<4x128xi32, #tpu.memory_space<vmem>>, vector<1x16xi32>,
    %swap3A_265 = vector.shape_cast %swap3A_264 : vector<1x16xi32> to vector<16xi32>
    %swap3A_266 = vector.shape_cast %mul3A_260 : vector<16xi32> to vector<1x16xi32>
    tpu.vector_store %arg5[%swap3A_262, %swap3A_263], %swap3A_266 {strides = array<i32>} : memref<4x128xi32, #tpu.memory_space<vmem>>, vector<1x16xi32>,
    %get3A_267 = arith.constant 2 : i32
    %get3A_268 = arith.index_cast %get3A_267 : i32 to index
    %get3A_269 = arith.constant 48 : index
    %get3A_270 = tpu.vector_load %arg5[%get3A_268, %get3A_269] {strides = array<i32>} : memref<4x128xi32, #tpu.memory_space<vmem>>, vector<1x16xi32>,
    %get3A_271 = vector.shape_cast %get3A_270 : vector<1x16xi32> to vector<16xi32>
    %mul3A_272 = arith.constant 2 : i32
    %mul3A_273 = vector.broadcast %mul3A_272 : i32 to vector<16xi32>
    %mul3A_274 = arith.muli %get3A_271, %mul3A_273 : vector<16xi32>
    %swap3A_275 = arith.constant 2 : i32
    %swap3A_276 = arith.index_cast %swap3A_275 : i32 to index
    %swap3A_277 = arith.constant 48 : index
    %swap3A_278 = tpu.vector_load %arg5[%swap3A_276, %swap3A_277] {strides = array<i32>} : memref<4x128xi32, #tpu.memory_space<vmem>>, vector<1x16xi32>,
    %swap3A_279 = vector.shape_cast %swap3A_278 : vector<1x16xi32> to vector<16xi32>
    %swap3A_280 = vector.shape_cast %mul3A_274 : vector<16xi32> to vector<1x16xi32>
    tpu.vector_store %arg5[%swap3A_276, %swap3A_277], %swap3A_280 {strides = array<i32>} : memref<4x128xi32, #tpu.memory_space<vmem>>, vector<1x16xi32>,
    %get3A_281 = arith.constant 2 : i32
    %get3A_282 = arith.index_cast %get3A_281 : i32 to index
    %get3A_283 = arith.constant 64 : index
    %get3A_284 = tpu.vector_load %arg5[%get3A_282, %get3A_283] {strides = array<i32>} : memref<4x128xi32, #tpu.memory_space<vmem>>, vector<1x16xi32>,
    %get3A_285 = vector.shape_cast %get3A_284 : vector<1x16xi32> to vector<16xi32>
    %mul3A_286 = arith.constant 2 : i32
    %mul3A_287 = vector.broadcast %mul3A_286 : i32 to vector<16xi32>
    %mul3A_288 = arith.muli %get3A_285, %mul3A_287 : vector<16xi32>
    %swap3A_289 = arith.constant 2 : i32
    %swap3A_290 = arith.index_cast %swap3A_289 : i32 to index
    %swap3A_291 = arith.constant 64 : index
    %swap3A_292 = tpu.vector_load %arg5[%swap3A_290, %swap3A_291] {strides = array<i32>} : memref<4x128xi32, #tpu.memory_space<vmem>>, vector<1x16xi32>,
    %swap3A_293 = vector.shape_cast %swap3A_292 : vector<1x16xi32> to vector<16xi32>
    %swap3A_294 = vector.shape_cast %mul3A_288 : vector<16xi32> to vector<1x16xi32>
    tpu.vector_store %arg5[%swap3A_290, %swap3A_291], %swap3A_294 {strides = array<i32>} : memref<4x128xi32, #tpu.memory_space<vmem>>, vector<1x16xi32>,
    %get3A_295 = arith.constant 2 : i32
    %get3A_296 = arith.index_cast %get3A_295 : i32 to index
    %get3A_297 = arith.constant 80 : index
    %get3A_298 = tpu.vector_load %arg5[%get3A_296, %get3A_297] {strides = array<i32>} : memref<4x128xi32, #tpu.memory_space<vmem>>, vector<1x16xi32>,
    %get3A_299 = vector.shape_cast %get3A_298 : vector<1x16xi32> to vector<16xi32>
    %mul3A_300 = arith.constant 2 : i32
    %mul3A_301 = vector.broadcast %mul3A_300 : i32 to vector<16xi32>
    %mul3A_302 = arith.muli %get3A_299, %mul3A_301 : vector<16xi32>
    %swap3A_303 = arith.constant 2 : i32
    %swap3A_304 = arith.index_cast %swap3A_303 : i32 to index
    %swap3A_305 = arith.constant 80 : index
    %swap3A_306 = tpu.vector_load %arg5[%swap3A_304, %swap3A_305] {strides = array<i32>} : memref<4x128xi32, #tpu.memory_space<vmem>>, vector<1x16xi32>,
    %swap3A_307 = vector.shape_cast %swap3A_306 : vector<1x16xi32> to vector<16xi32>
    %swap3A_308 = vector.shape_cast %mul3A_302 : vector<16xi32> to vector<1x16xi32>
    tpu.vector_store %arg5[%swap3A_304, %swap3A_305], %swap3A_308 {strides = array<i32>} : memref<4x128xi32, #tpu.memory_space<vmem>>, vector<1x16xi32>,
    %get3A_309 = arith.constant 2 : i32
    %get3A_310 = arith.index_cast %get3A_309 : i32 to index
    %get3A_311 = arith.constant 96 : index
    %get3A_312 = tpu.vector_load %arg5[%get3A_310, %get3A_311] {strides = array<i32>} : memref<4x128xi32, #tpu.memory_space<vmem>>, vector<1x16xi32>,
    %get3A_313 = vector.shape_cast %get3A_312 : vector<1x16xi32> to vector<16xi32>
    %mul3A_314 = arith.constant 2 : i32
    %mul3A_315 = vector.broadcast %mul3A_314 : i32 to vector<16xi32>
    %mul3A_316 = arith.muli %get3A_313, %mul3A_315 : vector<16xi32>
    %swap3A_317 = arith.constant 2 : i32
    %swap3A_318 = arith.index_cast %swap3A_317 : i32 to index
    %swap3A_319 = arith.constant 96 : index
    %swap3A_320 = tpu.vector_load %arg5[%swap3A_318, %swap3A_319] {strides = array<i32>} : memref<4x128xi32, #tpu.memory_space<vmem>>, vector<1x16xi32>,
    %swap3A_321 = vector.shape_cast %swap3A_320 : vector<1x16xi32> to vector<16xi32>
    %swap3A_322 = vector.shape_cast %mul3A_316 : vector<16xi32> to vector<1x16xi32>
    tpu.vector_store %arg5[%swap3A_318, %swap3A_319], %swap3A_322 {strides = array<i32>} : memref<4x128xi32, #tpu.memory_space<vmem>>, vector<1x16xi32>,
    %get3A_323 = arith.constant 2 : i32
    %get3A_324 = arith.index_cast %get3A_323 : i32 to index
    %get3A_325 = arith.constant 112 : index
    %get3A_326 = tpu.vector_load %arg5[%get3A_324, %get3A_325] {strides = array<i32>} : memref<4x128xi32, #tpu.memory_space<vmem>>, vector<1x16xi32>,
    %get3A_327 = vector.shape_cast %get3A_326 : vector<1x16xi32> to vector<16xi32>
    %mul3A_328 = arith.constant 2 : i32
    %mul3A_329 = vector.broadcast %mul3A_328 : i32 to vector<16xi32>
    %mul3A_330 = arith.muli %get3A_327, %mul3A_329 : vector<16xi32>
    %swap3A_331 = arith.constant 2 : i32
    %swap3A_332 = arith.index_cast %swap3A_331 : i32 to index
    %swap3A_333 = arith.constant 112 : index
    %swap3A_334 = tpu.vector_load %arg5[%swap3A_332, %swap3A_333] {strides = array<i32>} : memref<4x128xi32, #tpu.memory_space<vmem>>, vector<1x16xi32>,
    %swap3A_335 = vector.shape_cast %swap3A_334 : vector<1x16xi32> to vector<16xi32>
    %swap3A_336 = vector.shape_cast %mul3A_330 : vector<16xi32> to vector<1x16xi32>
    tpu.vector_store %arg5[%swap3A_332, %swap3A_333], %swap3A_336 {strides = array<i32>} : memref<4x128xi32, #tpu.memory_space<vmem>>, vector<1x16xi32>,
    %get3A_337 = arith.constant 3 : i32
    %get3A_338 = arith.index_cast %get3A_337 : i32 to index
    %get3A_339 = arith.constant 0 : index
    %get3A_340 = tpu.vector_load %arg5[%get3A_338, %get3A_339] {strides = array<i32>} : memref<4x128xi32, #tpu.memory_space<vmem>>, vector<1x16xi32>,
    %get3A_341 = vector.shape_cast %get3A_340 : vector<1x16xi32> to vector<16xi32>
    %mul3A_342 = arith.constant 2 : i32
    %mul3A_343 = vector.broadcast %mul3A_342 : i32 to vector<16xi32>
    %mul3A_344 = arith.muli %get3A_341, %mul3A_343 : vector<16xi32>
    %swap3A_345 = arith.constant 3 : i32
    %swap3A_346 = arith.index_cast %swap3A_345 : i32 to index
    %swap3A_347 = arith.constant 0 : index
    %swap3A_348 = tpu.vector_load %arg5[%swap3A_346, %swap3A_347] {strides = array<i32>} : memref<4x128xi32, #tpu.memory_space<vmem>>, vector<1x16xi32>,
    %swap3A_349 = vector.shape_cast %swap3A_348 : vector<1x16xi32> to vector<16xi32>
    %swap3A_350 = vector.shape_cast %mul3A_344 : vector<16xi32> to vector<1x16xi32>
    tpu.vector_store %arg5[%swap3A_346, %swap3A_347], %swap3A_350 {strides = array<i32>} : memref<4x128xi32, #tpu.memory_space<vmem>>, vector<1x16xi32>,
    %get3A_351 = arith.constant 3 : i32
    %get3A_352 = arith.index_cast %get3A_351 : i32 to index
    %get3A_353 = arith.constant 16 : index
    %get3A_354 = tpu.vector_load %arg5[%get3A_352, %get3A_353] {strides = array<i32>} : memref<4x128xi32, #tpu.memory_space<vmem>>, vector<1x16xi32>,
    %get3A_355 = vector.shape_cast %get3A_354 : vector<1x16xi32> to vector<16xi32>
    %mul3A_356 = arith.constant 2 : i32
    %mul3A_357 = vector.broadcast %mul3A_356 : i32 to vector<16xi32>
    %mul3A_358 = arith.muli %get3A_355, %mul3A_357 : vector<16xi32>
    %swap3A_359 = arith.constant 3 : i32
    %swap3A_360 = arith.index_cast %swap3A_359 : i32 to index
    %swap3A_361 = arith.constant 16 : index
    %swap3A_362 = tpu.vector_load %arg5[%swap3A_360, %swap3A_361] {strides = array<i32>} : memref<4x128xi32, #tpu.memory_space<vmem>>, vector<1x16xi32>,
    %swap3A_363 = vector.shape_cast %swap3A_362 : vector<1x16xi32> to vector<16xi32>
    %swap3A_364 = vector.shape_cast %mul3A_358 : vector<16xi32> to vector<1x16xi32>
    tpu.vector_store %arg5[%swap3A_360, %swap3A_361], %swap3A_364 {strides = array<i32>} : memref<4x128xi32, #tpu.memory_space<vmem>>, vector<1x16xi32>,
    %get3A_365 = arith.constant 3 : i32
    %get3A_366 = arith.index_cast %get3A_365 : i32 to index
    %get3A_367 = arith.constant 32 : index
    %get3A_368 = tpu.vector_load %arg5[%get3A_366, %get3A_367] {strides = array<i32>} : memref<4x128xi32, #tpu.memory_space<vmem>>, vector<1x16xi32>,
    %get3A_369 = vector.shape_cast %get3A_368 : vector<1x16xi32> to vector<16xi32>
    %mul3A_370 = arith.constant 2 : i32
    %mul3A_371 = vector.broadcast %mul3A_370 : i32 to vector<16xi32>
    %mul3A_372 = arith.muli %get3A_369, %mul3A_371 : vector<16xi32>
    %swap3A_373 = arith.constant 3 : i32
    %swap3A_374 = arith.index_cast %swap3A_373 : i32 to index
    %swap3A_375 = arith.constant 32 : index
    %swap3A_376 = tpu.vector_load %arg5[%swap3A_374, %swap3A_375] {strides = array<i32>} : memref<4x128xi32, #tpu.memory_space<vmem>>, vector<1x16xi32>,
    %swap3A_377 = vector.shape_cast %swap3A_376 : vector<1x16xi32> to vector<16xi32>
    %swap3A_378 = vector.shape_cast %mul3A_372 : vector<16xi32> to vector<1x16xi32>
    tpu.vector_store %arg5[%swap3A_374, %swap3A_375], %swap3A_378 {strides = array<i32>} : memref<4x128xi32, #tpu.memory_space<vmem>>, vector<1x16xi32>,
    %get3A_379 = arith.constant 3 : i32
    %get3A_380 = arith.index_cast %get3A_379 : i32 to index
    %get3A_381 = arith.constant 48 : index
    %get3A_382 = tpu.vector_load %arg5[%get3A_380, %get3A_381] {strides = array<i32>} : memref<4x128xi32, #tpu.memory_space<vmem>>, vector<1x16xi32>,
    %get3A_383 = vector.shape_cast %get3A_382 : vector<1x16xi32> to vector<16xi32>
    %mul3A_384 = arith.constant 2 : i32
    %mul3A_385 = vector.broadcast %mul3A_384 : i32 to vector<16xi32>
    %mul3A_386 = arith.muli %get3A_383, %mul3A_385 : vector<16xi32>
    %swap3A_387 = arith.constant 3 : i32
    %swap3A_388 = arith.index_cast %swap3A_387 : i32 to index
    %swap3A_389 = arith.constant 48 : index
    %swap3A_390 = tpu.vector_load %arg5[%swap3A_388, %swap3A_389] {strides = array<i32>} : memref<4x128xi32, #tpu.memory_space<vmem>>, vector<1x16xi32>,
    %swap3A_391 = vector.shape_cast %swap3A_390 : vector<1x16xi32> to vector<16xi32>
    %swap3A_392 = vector.shape_cast %mul3A_386 : vector<16xi32> to vector<1x16xi32>
    tpu.vector_store %arg5[%swap3A_388, %swap3A_389], %swap3A_392 {strides = array<i32>} : memref<4x128xi32, #tpu.memory_space<vmem>>, vector<1x16xi32>,
    %get3A_393 = arith.constant 3 : i32
    %get3A_394 = arith.index_cast %get3A_393 : i32 to index
    %get3A_395 = arith.constant 64 : index
    %get3A_396 = tpu.vector_load %arg5[%get3A_394, %get3A_395] {strides = array<i32>} : memref<4x128xi32, #tpu.memory_space<vmem>>, vector<1x16xi32>,
    %get3A_397 = vector.shape_cast %get3A_396 : vector<1x16xi32> to vector<16xi32>
    %mul3A_398 = arith.constant 2 : i32
    %mul3A_399 = vector.broadcast %mul3A_398 : i32 to vector<16xi32>
    %mul3A_400 = arith.muli %get3A_397, %mul3A_399 : vector<16xi32>
    %swap3A_401 = arith.constant 3 : i32
    %swap3A_402 = arith.index_cast %swap3A_401 : i32 to index
    %swap3A_403 = arith.constant 64 : index
    %swap3A_404 = tpu.vector_load %arg5[%swap3A_402, %swap3A_403] {strides = array<i32>} : memref<4x128xi32, #tpu.memory_space<vmem>>, vector<1x16xi32>,
    %swap3A_405 = vector.shape_cast %swap3A_404 : vector<1x16xi32> to vector<16xi32>
    %swap3A_406 = vector.shape_cast %mul3A_400 : vector<16xi32> to vector<1x16xi32>
    tpu.vector_store %arg5[%swap3A_402, %swap3A_403], %swap3A_406 {strides = array<i32>} : memref<4x128xi32, #tpu.memory_space<vmem>>, vector<1x16xi32>,
    %get3A_407 = arith.constant 3 : i32
    %get3A_408 = arith.index_cast %get3A_407 : i32 to index
    %get3A_409 = arith.constant 80 : index
    %get3A_410 = tpu.vector_load %arg5[%get3A_408, %get3A_409] {strides = array<i32>} : memref<4x128xi32, #tpu.memory_space<vmem>>, vector<1x16xi32>,
    %get3A_411 = vector.shape_cast %get3A_410 : vector<1x16xi32> to vector<16xi32>
    %mul3A_412 = arith.constant 2 : i32
    %mul3A_413 = vector.broadcast %mul3A_412 : i32 to vector<16xi32>
    %mul3A_414 = arith.muli %get3A_411, %mul3A_413 : vector<16xi32>
    %swap3A_415 = arith.constant 3 : i32
    %swap3A_416 = arith.index_cast %swap3A_415 : i32 to index
    %swap3A_417 = arith.constant 80 : index
    %swap3A_418 = tpu.vector_load %arg5[%swap3A_416, %swap3A_417] {strides = array<i32>} : memref<4x128xi32, #tpu.memory_space<vmem>>, vector<1x16xi32>,
    %swap3A_419 = vector.shape_cast %swap3A_418 : vector<1x16xi32> to vector<16xi32>
    %swap3A_420 = vector.shape_cast %mul3A_414 : vector<16xi32> to vector<1x16xi32>
    tpu.vector_store %arg5[%swap3A_416, %swap3A_417], %swap3A_420 {strides = array<i32>} : memref<4x128xi32, #tpu.memory_space<vmem>>, vector<1x16xi32>,
    %get3A_421 = arith.constant 3 : i32
    %get3A_422 = arith.index_cast %get3A_421 : i32 to index
    %get3A_423 = arith.constant 96 : index
    %get3A_424 = tpu.vector_load %arg5[%get3A_422, %get3A_423] {strides = array<i32>} : memref<4x128xi32, #tpu.memory_space<vmem>>, vector<1x16xi32>,
    %get3A_425 = vector.shape_cast %get3A_424 : vector<1x16xi32> to vector<16xi32>
    %mul3A_426 = arith.constant 2 : i32
    %mul3A_427 = vector.broadcast %mul3A_426 : i32 to vector<16xi32>
    %mul3A_428 = arith.muli %get3A_425, %mul3A_427 : vector<16xi32>
    %swap3A_429 = arith.constant 3 : i32
    %swap3A_430 = arith.index_cast %swap3A_429 : i32 to index
    %swap3A_431 = arith.constant 96 : index
    %swap3A_432 = tpu.vector_load %arg5[%swap3A_430, %swap3A_431] {strides = array<i32>} : memref<4x128xi32, #tpu.memory_space<vmem>>, vector<1x16xi32>,
    %swap3A_433 = vector.shape_cast %swap3A_432 : vector<1x16xi32> to vector<16xi32>
    %swap3A_434 = vector.shape_cast %mul3A_428 : vector<16xi32> to vector<1x16xi32>
    tpu.vector_store %arg5[%swap3A_430, %swap3A_431], %swap3A_434 {strides = array<i32>} : memref<4x128xi32, #tpu.memory_space<vmem>>, vector<1x16xi32>,
    %get3A_435 = arith.constant 3 : i32
    %get3A_436 = arith.index_cast %get3A_435 : i32 to index
    %get3A_437 = arith.constant 112 : index
    %get3A_438 = tpu.vector_load %arg5[%get3A_436, %get3A_437] {strides = array<i32>} : memref<4x128xi32, #tpu.memory_space<vmem>>, vector<1x16xi32>,
    %get3A_439 = vector.shape_cast %get3A_438 : vector<1x16xi32> to vector<16xi32>
    %mul3A_440 = arith.constant 2 : i32
    %mul3A_441 = vector.broadcast %mul3A_440 : i32 to vector<16xi32>
    %mul3A_442 = arith.muli %get3A_439, %mul3A_441 : vector<16xi32>
    %swap3A_443 = arith.constant 3 : i32
    %swap3A_444 = arith.index_cast %swap3A_443 : i32 to index
    %swap3A_445 = arith.constant 112 : index
    %swap3A_446 = tpu.vector_load %arg5[%swap3A_444, %swap3A_445] {strides = array<i32>} : memref<4x128xi32, #tpu.memory_space<vmem>>, vector<1x16xi32>,
    %swap3A_447 = vector.shape_cast %swap3A_446 : vector<1x16xi32> to vector<16xi32>
    %swap3A_448 = vector.shape_cast %mul3A_442 : vector<16xi32> to vector<1x16xi32>
    tpu.vector_store %arg5[%swap3A_444, %swap3A_445], %swap3A_448 {strides = array<i32>} : memref<4x128xi32, #tpu.memory_space<vmem>>, vector<1x16xi32>,
    %dma_start3A = arith.constant 0 : i32
    %dma_start3A_449 = arith.constant 0 : i32
    %dma_start3A_450 = arith.constant 0 : i32
    %dma_start3A_451 = tpu.memref_slice %arg6[%dma_start3A_449, %dma_start3A_450] : memref<512x16xi32, #tpu.memory_space<vmem>> -> memref<128x16xi32, #tpu.memory_space<vmem>>
    %dma_start3A_452 = arith.constant 0 : i32
    %dma_start3A_453 = tpu.memref_slice %arg5[%dma_start3A, %dma_start3A_452] : memref<4x128xi32, #tpu.memory_space<vmem>> -> memref<1x128xi32, #tpu.memory_space<vmem>>
    %dma_start3A_454 = tpu.memref_squeeze %dma_start3A_453 : memref<1x128xi32, #tpu.memory_space<vmem>> -> memref<128xi32, #tpu.memory_space<vmem>>
    %dma_start3A_455 = arith.constant 0 : i32
    %dma_start3A_456 = arith.constant 0 : i32
    %dma_start3A_457 = tpu.memref_slice %arg2[%dma_start3A_455, %dma_start3A_456] : memref<200000x16xi32, #tpu.memory_space<hbm>> -> memref<200000x16xi32, #tpu.memory_space<hbm>>
    tpu.enqueue_indirect_dma source(%dma_start3A_457 : memref<200000x16xi32, #tpu.memory_space<hbm>>) target(%dma_start3A_451 : memref<128x16xi32, #tpu.memory_space<vmem>>) offsets(%dma_start3A_454 : memref<128xi32, #tpu.memory_space<vmem>>) semaphore(%arg7 : memref<!tpu.dma_semaphore, #tpu.memory_space<semaphore_mem>>)
    %dma_start3A_458 = arith.constant 1 : i32
    %dma_start3A_459 = arith.constant 128 : i32
    %dma_start3A_460 = arith.constant 0 : i32
    %dma_start3A_461 = tpu.memref_slice %arg6[%dma_start3A_459, %dma_start3A_460] : memref<512x16xi32, #tpu.memory_space<vmem>> -> memref<128x16xi32, #tpu.memory_space<vmem>>
    %dma_start3A_462 = arith.constant 0 : i32
    %dma_start3A_463 = tpu.memref_slice %arg5[%dma_start3A_458, %dma_start3A_462] : memref<4x128xi32, #tpu.memory_space<vmem>> -> memref<1x128xi32, #tpu.memory_space<vmem>>
    %dma_start3A_464 = tpu.memref_squeeze %dma_start3A_463 : memref<1x128xi32, #tpu.memory_space<vmem>> -> memref<128xi32, #tpu.memory_space<vmem>>
    %dma_start3A_465 = arith.constant 0 : i32
    %dma_start3A_466 = arith.constant 0 : i32
    %dma_start3A_467 = tpu.memref_slice %arg2[%dma_start3A_465, %dma_start3A_466] : memref<200000x16xi32, #tpu.memory_space<hbm>> -> memref<200000x16xi32, #tpu.memory_space<hbm>>
    tpu.enqueue_indirect_dma source(%dma_start3A_467 : memref<200000x16xi32, #tpu.memory_space<hbm>>) target(%dma_start3A_461 : memref<128x16xi32, #tpu.memory_space<vmem>>) offsets(%dma_start3A_464 : memref<128xi32, #tpu.memory_space<vmem>>) semaphore(%arg7 : memref<!tpu.dma_semaphore, #tpu.memory_space<semaphore_mem>>)
    %dma_start3A_468 = arith.constant 2 : i32
    %dma_start3A_469 = arith.constant 256 : i32
    %dma_start3A_470 = arith.constant 0 : i32
    %dma_start3A_471 = tpu.memref_slice %arg6[%dma_start3A_469, %dma_start3A_470] : memref<512x16xi32, #tpu.memory_space<vmem>> -> memref<128x16xi32, #tpu.memory_space<vmem>>
    %dma_start3A_472 = arith.constant 0 : i32
    %dma_start3A_473 = tpu.memref_slice %arg5[%dma_start3A_468, %dma_start3A_472] : memref<4x128xi32, #tpu.memory_space<vmem>> -> memref<1x128xi32, #tpu.memory_space<vmem>>
    %dma_start3A_474 = tpu.memref_squeeze %dma_start3A_473 : memref<1x128xi32, #tpu.memory_space<vmem>> -> memref<128xi32, #tpu.memory_space<vmem>>
    %dma_start3A_475 = arith.constant 0 : i32
    %dma_start3A_476 = arith.constant 0 : i32
    %dma_start3A_477 = tpu.memref_slice %arg2[%dma_start3A_475, %dma_start3A_476] : memref<200000x16xi32, #tpu.memory_space<hbm>> -> memref<200000x16xi32, #tpu.memory_space<hbm>>
    tpu.enqueue_indirect_dma source(%dma_start3A_477 : memref<200000x16xi32, #tpu.memory_space<hbm>>) target(%dma_start3A_471 : memref<128x16xi32, #tpu.memory_space<vmem>>) offsets(%dma_start3A_474 : memref<128xi32, #tpu.memory_space<vmem>>) semaphore(%arg7 : memref<!tpu.dma_semaphore, #tpu.memory_space<semaphore_mem>>)
    %dma_start3A_478 = arith.constant 3 : i32
    %dma_start3A_479 = arith.constant 384 : i32
    %dma_start3A_480 = arith.constant 0 : i32
    %dma_start3A_481 = tpu.memref_slice %arg6[%dma_start3A_479, %dma_start3A_480] : memref<512x16xi32, #tpu.memory_space<vmem>> -> memref<128x16xi32, #tpu.memory_space<vmem>>
    %dma_start3A_482 = arith.constant 0 : i32
    %dma_start3A_483 = tpu.memref_slice %arg5[%dma_start3A_478, %dma_start3A_482] : memref<4x128xi32, #tpu.memory_space<vmem>> -> memref<1x128xi32, #tpu.memory_space<vmem>>
    %dma_start3A_484 = tpu.memref_squeeze %dma_start3A_483 : memref<1x128xi32, #tpu.memory_space<vmem>> -> memref<128xi32, #tpu.memory_space<vmem>>
    %dma_start3A_485 = arith.constant 0 : i32
    %dma_start3A_486 = arith.constant 0 : i32
    %dma_start3A_487 = tpu.memref_slice %arg2[%dma_start3A_485, %dma_start3A_486] : memref<200000x16xi32, #tpu.memory_space<hbm>> -> memref<200000x16xi32, #tpu.memory_space<hbm>>
    tpu.enqueue_indirect_dma source(%dma_start3A_487 : memref<200000x16xi32, #tpu.memory_space<hbm>>) target(%dma_start3A_481 : memref<128x16xi32, #tpu.memory_space<vmem>>) offsets(%dma_start3A_484 : memref<128xi32, #tpu.memory_space<vmem>>) semaphore(%arg7 : memref<!tpu.dma_semaphore, #tpu.memory_space<semaphore_mem>>)
    %dma_wait3A = arith.constant 0 : i32
    %dma_wait3A_488 = arith.constant 0 : i32
    %dma_wait3A_489 = arith.constant 0 : i32
    %dma_wait3A_490 = tpu.memref_slice %arg6[%dma_wait3A_488, %dma_wait3A_489] : memref<512x16xi32, #tpu.memory_space<vmem>> -> memref<128x16xi32, #tpu.memory_space<vmem>>
    %dma_wait3A_491 = arith.constant 0 : i32
    %dma_wait3A_492 = tpu.memref_slice %arg5[%dma_wait3A, %dma_wait3A_491] : memref<4x128xi32, #tpu.memory_space<vmem>> -> memref<1x128xi32, #tpu.memory_space<vmem>>
    %dma_wait3A_493 = tpu.memref_squeeze %dma_wait3A_492 : memref<1x128xi32, #tpu.memory_space<vmem>> -> memref<128xi32, #tpu.memory_space<vmem>>
    %dma_wait3A_494 = arith.constant 0 : i32
    %dma_wait3A_495 = arith.constant 0 : i32
    %dma_wait3A_496 = tpu.memref_slice %arg2[%dma_wait3A_494, %dma_wait3A_495] : memref<200000x16xi32, #tpu.memory_space<hbm>> -> memref<200000x16xi32, #tpu.memory_space<hbm>>
    tpu.wait_indirect_dma semaphore(%arg7 : memref<!tpu.dma_semaphore, #tpu.memory_space<semaphore_mem>>) src(%dma_wait3A_496 : memref<200000x16xi32, #tpu.memory_space<hbm>>) dst(%dma_wait3A_490 : memref<128x16xi32, #tpu.memory_space<vmem>>)
    %dma_wait3A_497 = arith.constant 1 : i32
    %dma_wait3A_498 = arith.constant 128 : i32
    %dma_wait3A_499 = arith.constant 0 : i32
    %dma_wait3A_500 = tpu.memref_slice %arg6[%dma_wait3A_498, %dma_wait3A_499] : memref<512x16xi32, #tpu.memory_space<vmem>> -> memref<128x16xi32, #tpu.memory_space<vmem>>
    %dma_wait3A_501 = arith.constant 0 : i32
    %dma_wait3A_502 = tpu.memref_slice %arg5[%dma_wait3A_497, %dma_wait3A_501] : memref<4x128xi32, #tpu.memory_space<vmem>> -> memref<1x128xi32, #tpu.memory_space<vmem>>
    %dma_wait3A_503 = tpu.memref_squeeze %dma_wait3A_502 : memref<1x128xi32, #tpu.memory_space<vmem>> -> memref<128xi32, #tpu.memory_space<vmem>>
    %dma_wait3A_504 = arith.constant 0 : i32
    %dma_wait3A_505 = arith.constant 0 : i32
    %dma_wait3A_506 = tpu.memref_slice %arg2[%dma_wait3A_504, %dma_wait3A_505] : memref<200000x16xi32, #tpu.memory_space<hbm>> -> memref<200000x16xi32, #tpu.memory_space<hbm>>
    tpu.wait_indirect_dma semaphore(%arg7 : memref<!tpu.dma_semaphore, #tpu.memory_space<semaphore_mem>>) src(%dma_wait3A_506 : memref<200000x16xi32, #tpu.memory_space<hbm>>) dst(%dma_wait3A_500 : memref<128x16xi32, #tpu.memory_space<vmem>>)
    %dma_wait3A_507 = arith.constant 2 : i32
    %dma_wait3A_508 = arith.constant 256 : i32
    %dma_wait3A_509 = arith.constant 0 : i32
    %dma_wait3A_510 = tpu.memref_slice %arg6[%dma_wait3A_508, %dma_wait3A_509] : memref<512x16xi32, #tpu.memory_space<vmem>> -> memref<128x16xi32, #tpu.memory_space<vmem>>
    %dma_wait3A_511 = arith.constant 0 : i32
    %dma_wait3A_512 = tpu.memref_slice %arg5[%dma_wait3A_507, %dma_wait3A_511] : memref<4x128xi32, #tpu.memory_space<vmem>> -> memref<1x128xi32, #tpu.memory_space<vmem>>
    %dma_wait3A_513 = tpu.memref_squeeze %dma_wait3A_512 : memref<1x128xi32, #tpu.memory_space<vmem>> -> memref<128xi32, #tpu.memory_space<vmem>>
    %dma_wait3A_514 = arith.constant 0 : i32
    %dma_wait3A_515 = arith.constant 0 : i32
    %dma_wait3A_516 = tpu.memref_slice %arg2[%dma_wait3A_514, %dma_wait3A_515] : memref<200000x16xi32, #tpu.memory_space<hbm>> -> memref<200000x16xi32, #tpu.memory_space<hbm>>
    tpu.wait_indirect_dma semaphore(%arg7 : memref<!tpu.dma_semaphore, #tpu.memory_space<semaphore_mem>>) src(%dma_wait3A_516 : memref<200000x16xi32, #tpu.memory_space<hbm>>) dst(%dma_wait3A_510 : memref<128x16xi32, #tpu.memory_space<vmem>>)
    %dma_wait3A_517 = arith.constant 3 : i32
    %dma_wait3A_518 = arith.constant 384 : i32
    %dma_wait3A_519 = arith.constant 0 : i32
    %dma_wait3A_520 = tpu.memref_slice %arg6[%dma_wait3A_518, %dma_wait3A_519] : memref<512x16xi32, #tpu.memory_space<vmem>> -> memref<128x16xi32, #tpu.memory_space<vmem>>
    %dma_wait3A_521 = arith.constant 0 : i32
    %dma_wait3A_522 = tpu.memref_slice %arg5[%dma_wait3A_517, %dma_wait3A_521] : memref<4x128xi32, #tpu.memory_space<vmem>> -> memref<1x128xi32, #tpu.memory_space<vmem>>
    %dma_wait3A_523 = tpu.memref_squeeze %dma_wait3A_522 : memref<1x128xi32, #tpu.memory_space<vmem>> -> memref<128xi32, #tpu.memory_space<vmem>>
    %dma_wait3A_524 = arith.constant 0 : i32
    %dma_wait3A_525 = arith.constant 0 : i32
    %dma_wait3A_526 = tpu.memref_slice %arg2[%dma_wait3A_524, %dma_wait3A_525] : memref<200000x16xi32, #tpu.memory_space<hbm>> -> memref<200000x16xi32, #tpu.memory_space<hbm>>
    tpu.wait_indirect_dma semaphore(%arg7 : memref<!tpu.dma_semaphore, #tpu.memory_space<semaphore_mem>>) src(%dma_wait3A_526 : memref<200000x16xi32, #tpu.memory_space<hbm>>) dst(%dma_wait3A_520 : memref<128x16xi32, #tpu.memory_space<vmem>>)
    "tpu.region"() ({
      %run_scoped3A = tpu.sem_alloc : memref<!tpu.dma_semaphore, #tpu.memory_space<semaphore_mem>>
      %dma_start3A_527 = arith.constant 0 : i32
      %dma_start3A_528 = tpu.memref_slice %arg4[%mul3A_2, %dma_start3A_527] : memref<16384x16xi32, #tpu.memory_space<hbm>> -> memref<512x16xi32, #tpu.memory_space<hbm>>
      %dma_start3A_529 = arith.constant 0 : i32
      %dma_start3A_530 = tpu.memref_slice %arg4[%mul3A_2, %dma_start3A_529] : memref<16384x16xi32, #tpu.memory_space<hbm>> -> memref<512x16xi32, #tpu.memory_space<hbm>>
      tpu.enqueue_dma source(%arg6 : memref<512x16xi32, #tpu.memory_space<vmem>>) target(%dma_start3A_530 : memref<512x16xi32, #tpu.memory_space<hbm>>) target_semaphore(%run_scoped3A : memref<!tpu.dma_semaphore, #tpu.memory_space<semaphore_mem>>)
      %dma_wait3A_531 = arith.constant 0 : i32
      %dma_wait3A_532 = tpu.memref_slice %arg4[%mul3A_2, %dma_wait3A_531] : memref<16384x16xi32, #tpu.memory_space<hbm>> -> memref<512x16xi32, #tpu.memory_space<hbm>>
      %dma_wait3A_533 = arith.constant 0 : i32
      %dma_wait3A_534 = tpu.memref_slice %arg4[%mul3A_2, %dma_wait3A_533] : memref<16384x16xi32, #tpu.memory_space<hbm>> -> memref<512x16xi32, #tpu.memory_space<hbm>>
      tpu.wait_dma2 semaphore(%run_scoped3A : memref<!tpu.dma_semaphore, #tpu.memory_space<semaphore_mem>>) src(%arg6 : memref<512x16xi32, #tpu.memory_space<vmem>>) dst(%dma_wait3A_534 : memref<512x16xi32, #tpu.memory_space<hbm>>)
      tpu.yield
    }) : () -> ()
    return
  }
}

</mosaic_0001>

<sc_bundles>
// kernel: kernel.3.cloned.1.call-start
scs
__scs_entry_jumppad:
0x0: {  	(pc) =	sbr.rel $0x88, $3  }
0x1: {  	(tag) =	ssettag $0x0;
	lr =	simm.s32 $0x1  }
0x2: {  	[smem:$0x3F9F] =	sst lr;
	_ =	strace $0xD0000000  }
0x3: {  	_ = 	snop  }
0x4: {  	_ = 	snop  }
0x5: {  	_ = 	snop  }
0x6: {  	_ = 	snop  }
0x7: {  	_ = 	snop  }
__scs_overlays_trampoline_lowered:
0x8: {  	[smem:$0x3FAE] =	sst s0  }
0x9: {  	[smem:$0x3FAF] =	sst s1  }
0xa: {  	[smem:$0x3FB0] =	sst s2  }
0xb: {  	[smem:$0x3FB1] =	sst s3  }
0xc: {  	[smem:$0x3FB2] =	sst s4  }
0xd: {  	[smem:$0x3FB3] =	sst s5  }
0xe: {  	[smem:$0x3FB4] =	sst s6  }
0xf: {  	[smem:$0x3FB5] =	sst s7  }
0x10: {  	[smem:$0x3FB6] =	sst s8  }
0x11: {  	[smem:$0x3FB7] =	sst s9;
	s0 =	simm.s32 @!p0 $0x0  }
0x12: {  	s1 =	sld [smem:$0x3F9D];
	s0 =	simm.s32 @p0 $0x1  }
0x13: {  	[smem:$0x3FB8] =	sst s0;
	s0 =	simm.s32 @!p1 $0x0  }
0x14: {  	s2 =	sld [smem:$0x3F9C];
	s0 =	simm.s32 @p1 $0x1  }
0x15: {  	[smem:$0x3FB9] =	sst s0;
	s0 =	simm.s32 @!p2 $0x0  }
0x16: {  	s3 =	sld [smem:$0x3FDB];
	s0 =	simm.s32 @p2 $0x1  }
0x17: {  	s4 =	simm.s32 $0x1BF5;
	[smem:$0x3FBB] =	sst s0  }
0x18: {  	s0 =	sld [smem:$0x3F9E];
	_ =	swait.ge [sflag:s4], $0x0  }
0x19: {  	s7 =	sld [smem:$0x3F9F]  }
0x1a: {  	s8 =	sadd.s32 $0xFFFFE003, lr  }
0x1b: {  	s9 =	sadd.s32 $0xFFFFFEF7, lr;
	s5 =	simm.s32 $0xFFFFFFFF;
	p2 =	slt.u32 s8, $0xFFFFF086  }
0x1c: {  	p1 =	slt.u32 s9, $0xF7A;
	s5 =	simm.s32 @!p2 $0x0  }
0x1d: {  	s5 =	simm.s32 @p1 $0x1;
	p0 =	seq.s32 s7, s2  }
0x1e: {  	s7 =	smul.u32 @!p0 $0xF7A, s2;
	p2 =	seq.s32 @!p0 s5, $0x0  }
0x1f: {  	s9 =	smul.u32 $0xF7A, s1;
	s8 =	simm.s32 @!p0 $0x1BF5;
	p2 =	por !p2, p0  }
0x20: {  	[sflag:s8] =	ssyncset.s32 @!p0 $0xFFFFF086;
	s6 =	sadd.s32 @!p0 s3, s7;
	s7 =	simm.s32 @!p0 $0x108  }
0x21: {  	s3 =	sadd.s32 s3, s9;
	s6 =	sadd.s32 @!p0 $0x88, s6;
	s7 =	simm.s32 @p2 $0x1082  }
0x22: {  	[simem:s7], [sflag:s8] =	dma.local @!p0 [hbm:s6], $0xF7A  }
0x23: {  	s9 =	sor.u32 $0xD0000000, s2;
	s6 =	simm.s32 $0x108;
	_ =	swait.ge @!p0 [sflag:s8], $0x0  }
0x24: {  	s3 =	sadd.s32 $0x88, s3;
	s6 =	simm.s32 @!p1 $0x1082;
	[sflag:s4] =	ssyncset.s32 $0xFFFFF086  }
0x25: {  	[simem:s6], [sflag:s4] =	dma.local [hbm:s3], $0xF7A  }
0x26: {  	[smem:$0x3F9F] =	sst s1;
	(tag) =	ssettag s2;
	_ =	strace s9  }
0x27: {  	s1 =	sld [smem:$0x3FAF]  }
0x28: {  	s2 =	sld [smem:$0x3FB0]  }
0x29: {  	s4 =	sld [smem:$0x3FB2]  }
0x2a: {  	p0 =	seq.s32 s5, $0x0;
	s5 =	sld [smem:$0x3FB3]  }
0x2b: {  	s6 =	sld [smem:$0x3FB4]  }
0x2c: {  	s7 =	sld [smem:$0x3FB5]  }
0x2d: {  	s3 =	simm.s32 $0x108;
	s8 =	sld [smem:$0x3FB6]  }
0x2e: {  	s3 =	simm.s32 @!p0 $0x1082;
	s9 =	sld [smem:$0x3FB7]  }
0x2f: {  	lr =	sadd.s32 s0, s3;
	s0 =	sld [smem:$0x3FAE]  }
0x30: {  	s3 =	sld [smem:$0x3FB1]  }
0x31: {  	[smem:$0x3FBA] =	sst s10  }
0x32: {  	s10 =	sld [smem:$0x3FB8];
	_ =	sdelay $0x3  }
0x33: {  	p0 =	seq.s32 s10, $0x1;
	s10 =	sld [smem:$0x3FBA];
	_ =	sdelay $0x3  }
0x34: {  	[smem:$0x3FBA] =	sst s10  }
0x35: {  	s10 =	sld [smem:$0x3FB9];
	_ =	sdelay $0x3  }
0x36: {  	p1 =	seq.s32 s10, $0x1;
	s10 =	sld [smem:$0x3FBA];
	_ =	sdelay $0x3  }
0x37: {  	[smem:$0x3FBA] =	sst s10  }
0x38: {  	s10 =	sld [smem:$0x3FBB]  }
0x39: {  	_ = 	snop;
	(pc) =	sbr.ind lr, $3  }
0x3a: {  	_ = 	snop  }
0x3b: {  	_ = 	snop  }
0x3c: {  	p2 =	seq.s32 s10, $0x1;
	s10 =	sld [smem:$0x3FBA]  }
0x3d: {  	_ =	shalt  }
0x3e: {  	_ =	shalt  }
0x3f: {  	_ =	shalt  }
0x40: {  	_ =	shalt  }
0x41: {  	_ =	shalt  }
0x42: {  	_ =	shalt  }
0x43: {  	_ =	shalt  }
0x44: {  	_ =	shalt  }
0x45: {  	_ =	shalt  }
0x46: {  	_ =	shalt  }
0x47: {  	_ =	shalt  }
0x48: {  	_ =	shalt  }
0x49: {  	_ =	shalt  }
0x4a: {  	_ =	shalt  }
0x4b: {  	_ =	shalt  }
0x4c: {  	_ =	shalt  }
0x4d: {  	_ =	shalt  }
0x4e: {  	_ =	shalt  }
0x4f: {  	_ =	shalt  }
0x50: {  	_ =	shalt  }
0x51: {  	_ =	shalt  }
0x52: {  	_ =	shalt  }
0x53: {  	_ =	shalt  }
0x54: {  	_ =	shalt  }
0x55: {  	_ =	shalt  }
0x56: {  	_ =	shalt  }
0x57: {  	_ =	shalt  }
0x58: {  	_ =	shalt  }
0x59: {  	_ =	shalt  }
0x5a: {  	_ =	shalt  }
0x5b: {  	_ =	shalt  }
0x5c: {  	_ =	shalt  }
0x5d: {  	_ =	shalt  }
0x5e: {  	_ =	shalt  }
0x5f: {  	_ =	shalt  }
0x60: {  	_ =	shalt  }
0x61: {  	_ =	shalt  }
0x62: {  	_ =	shalt  }
0x63: {  	_ =	shalt  }
0x64: {  	_ =	shalt  }
0x65: {  	_ =	shalt  }
0x66: {  	_ =	shalt  }
0x67: {  	_ =	shalt  }
0x68: {  	_ =	shalt  }
0x69: {  	_ =	shalt  }
0x6a: {  	_ =	shalt  }
0x6b: {  	_ =	shalt  }
0x6c: {  	_ =	shalt  }
0x6d: {  	_ =	shalt  }
0x6e: {  	_ =	shalt  }
0x6f: {  	_ =	shalt  }
0x70: {  	_ =	shalt  }
0x71: {  	_ =	shalt  }
0x72: {  	_ =	shalt  }
0x73: {  	_ =	shalt  }
0x74: {  	_ =	shalt  }
0x75: {  	_ =	shalt  }
0x76: {  	_ =	shalt  }
0x77: {  	_ =	shalt  }
0x78: {  	_ =	shalt  }
0x79: {  	_ =	shalt  }
0x7a: {  	_ =	shalt  }
0x7b: {  	_ =	shalt  }
0x7c: {  	_ =	shalt  }
0x7d: {  	_ =	shalt  }
0x7e: {  	_ =	shalt  }
0x7f: {  	_ =	shalt  }
0x80: {  	_ =	shalt  }
0x81: {  	_ =	shalt  }
0x82: {  	_ =	shalt  }
0x83: {  	_ =	shalt  }
0x84: {  	_ =	shalt  }
0x85: {  	_ =	shalt  }
0x86: {  	_ =	shalt  }
0x87: {  	_ =	shalt  }
.Lfunc_end0:
.L_simem_size_0:
called_computation_lowered:
.L_overlay_start_0:
0x88: {  	s2 =	sld [smem:$0x3FD9]  }
0x89: {  	s3 =	sld [smem:$0x3FFE];
	_ =	sdelay $0x1  }
0x8a: {  	s1 =	srdreg.scid  }
0x8b: {  	s0 =	sand.u32 $0x1, s1  }
0x8c: {  	s17 =	sshll.u32 s0, $0xA;
	s2 =	sadd.s32 s3, s2  }
0x8d: {  	s2 =	sadd.s32 s2, s17  }
0x8e: {  	[smem:$0x3FC6] =	sst s2  }
0x8f: {  	_ = 	snop  }
0x90: {  	s2 =	sld [smem:$0x3FC8]  }
0x91: {  	s18 =	sld [smem:$0x3FD0];
	(tm) =	ssettm $0x1  }
0x92: {  	s4 =	sld [smem:$0x3FFB];
	_ =	sdelay $0x3  }
0x93: {  	_ =	strace s4  }
0x94: {  	s4 =	sld [smem:$0x3FFC];
	_ =	sdelay $0x3  }
0x95: {  	_ =	strace s4  }
0x96: {  	s4 =	sld [smem:$0x3FFD];
	_ =	sdelay $0x3  }
0x97: {  	_ =	strace s4  }
0x98: {  	_ =	strace $0x8FFFFFFF  }
0x99: {  	s19 =	sld [smem:$0x3FDB];
	_ =	sdelay $0x1  }
0x9a: {  	s5 =	simm.s32 $_scs_section_size  }
0x9b: {  	s6 =	simm.s32 $_size__tile_overlayer_lowered;
	s7 =	simm.s32 $_tile_overlayer_lowered  }
0x9c: {  	s22 =	simm.s32 $0x1BFF;
	s21 =	sshll.u32 s7, $0x1;
	s4 =	sadd.s32 s5, s19  }
0x9d: {  	s8 =	simm.s32 $0x0;
	s20 =	sshll.u32 s6, $0x1;
	s6 =	sadd.s32 s21, s4  }
0x9e: {  	[timem:s8], [sflag:s22] =	dma.local [hbm:s6], s20  }
0x9f: {  	_ =	swait.ge [sflag:s22], s20  }
0xa0: {  	s5 =	ssub.s32 $0x0, s20;
	[sflag:s22] =	ssyncset.done $0x0  }
0xa1: {  	[sflag:s22] =	ssyncadd.s32 s5;
	_ =	sdelay $0x1  }
0xa2: {  	s23 =	simm.s32 $0x1B8B  }
0xa3: {  	_ =	swait.ge [sflag:s23], $0x1  }
0xa4: {  	[sflag:s23] =	ssyncset.done $0x0  }
0xa5: {  	s25 =	simm.s32 $0x1B8E;
	s24 =	sld [smem:$0x3FFE];
	[sflag:s23] =	ssyncadd.s32 $0xFFFFFFFF  }
0xa6: {  	s26 =	simm.s32 $execute0_lowered;
	[smem:$0x3FD2] =	sst s25  }
0xa7: {  	s6 =	sshll.u32 s26, $0x1;
	_ =	strace $0x80000046;
	[dreg:$0x1] =	wrdreg $0xFFFFFFFF  }
0xa8: {  	s28 =	simm.s32 $_size_execute0_lowered;
	s4 =	sadd.s32 s4, s6;
	[dreg:$0x0] =	wrdreg $0x0  }
0xa9: {  	s6 =	sshll.u32 s28, $0x1;
	[dreg:$0x2] =	wrdreg s4  }
0xaa: {  	[dreg:$0x3] =	wrdreg s6  }
0xab: {  	[dreg:$0x4] =	wrdreg $0xC0  }
0xac: {  	_ =	task [dreg:s8], $0x5FFFF  }
0xad: {  	[dreg:$0x1] =	wrdreg $0xFFFFFFFF  }
0xae: {  	[dreg:$0x0] =	wrdreg $0x60  }
0xaf: {  	[dreg:$0x2] =	wrdreg s24  }
0xb0: {  	[dreg:$0x3] =	wrdreg s2  }
0xb1: {  	[dreg:$0x4] =	wrdreg s18  }
0xb2: {  	[dreg:$0x5] =	wrdreg $0x9  }
0xb3: {  	_ =	task.clear_ibuf [dreg:s8], $0x6FFFF;
	_ =	strace $0x90000046  }
0xb4: {  	s29 =	simm.s32 $0x9;
	_ =	strace $0x80000048  }
0xb5: {  	_ =	swait.ge [sflag:s29], $0x1  }
0xb6: {  	[sflag:s29] =	ssyncadd.s32 $0xFFFFFFFF  }
0xb7: {  	_ =	strace $0x90000048  }
0xb8: {  	_ =	sfence  }
0xb9: {  	s30 =	sld [smem:$0x0];
	_ =	sdelay $0x2  }
0xba: {  	s31 =	sshll.u32 s1, $0xD;
	s1 =	sshrl.u32 s1, $0x2  }
0xbb: {  	s3 =	sand.u32 $0x4000, s31;
	s1 =	sadd.s32 s1, s30  }
0xbc: {  	s0 =	sor.u32 s3, s0;
	s1 =	sshll.u32 s1, $0x11  }
0xbd: {  	s0 =	sor.u32 s1, s0  }
0xbe: {  	s0 =	sadd.s32 $0x8F2B, s0  }
0xbf: {  	[sflag:s0] =	ssyncadd.remote.s32 $0x1  }
0xc0: {  	_ =	sfence.sel $0xFFFF  }
0xc1: {  	[dreg:$0x0] =	wrdreg $0xFFFFFFFF;
	(pc) =	sbr.abs _section_cstart, $3  }
0xc2: {  	[dreg:$0x1] =	wrdreg $0xFFFFFFFF  }
0xc3: {  	_ =	task.clear_ibuf [dreg:s8], $0x2FFFF;
	_ =	strace $0x9FFFFFFF  }
0xc4: {  	(tm) =	ssettm $0x7FFFFFFF  }
0xc5: {  	_ =	shalt  }
tec
execute0_lowered:
.L_overlay_start_1:
0x0: {  	(tag) =	ssettag $0x1  }
0x1: {  	s3 =	rddreg [dreg:$0x0]  }
0x2: {  	s4 =	rddreg [dreg:$0x1]  }
0x3: {  	s5 =	rddreg [dreg:$0x2];
	s6 =	srdreg.scid  }
0x4: {  	s0 =	rddreg [dreg:$0x3];
	s1 =	stileid.u32;
	s6 =	sand.u32 $0x1, s6  }
0x5: {  	s8 =	sshll.u32 s1, $0xA;
	s7 =	ssub.s32 $0x2, s6;
	s6 =	sshll.u32 s6, $0x9  }
0x6: {  	s2 =	simm.s32 $0x0;
	s9 =	sshrl.u32 s7, $0x1;
	s8 =	sor.u32 s6, s8  }
0x7: {  	[smem:$0x7FF] =	sst s2;
	s7 =	ssub.s32 s7, s9;
	s30 =	sshrl.u32 s8, $0x3  }
0x8: {  	_ =	strace $0x80000047;
	s14 =	sadd.s32 s4, s30;
	s15 =	smax.u32 s7, $0x1  }
0x9: {  	[tilespmem:s2], [sflag:$0x2] =	stream.linear.gather [hbm4b:s14+s2], $0x200, $0x38;
	[tilespmem:$0x2200] =	vst v63  }
0xa: {  	s6 =	sadd.s32 $0x186E00, s3;
	s3 =	simm.s32 $0x2;
	p0 =	sne.s32 s15, $0x1  }
.Ltmp0:
0xb: {  	s10 =	simm.s32 $0x100;
	_ =	swait.ge [sflag:s3], $0x200;
	(pc) =	sbr.rel @!p0 .LBB2_2-.Ltmp0, $4  }
0xc: {  	s11 =	simm.s32 $0x1200;
	s12 =	simm.s32 $0x180;
	[sflag:s3] =	ssyncset.done $0x0  }
0xd: {  	s13 =	simm.s32 $0x1A00;
	s31 =	sshll.u32 s8, $0x1;
	[sflag:s3] =	ssyncadd.s32 $0xFFFFFE00  }
0xe: {  	s8 =	simm.s32 $0x80;
	s9 =	simm.s32 $0xA00;
	s4 =	sadd.s32 s5, s31;
	v0 =	vld [tilespmem:$0x1C0]  }
0xf: {  	s5 =	simm.s32 $0x200;
	s7 =	simm.s32 $0x1;
	s15 =	sadd.s32 $0xFFFFFFFF, s15;
	v1 =	vld [tilespmem:$0x1D0]  }
.LBB2_1:
0x10: {  	p0 =	sne.s32 s15, $0x1;
	s15 =	sadd.s32 $0xFFFFFFFF, s15;
	v2 =	vld [tilespmem:$0x1E0]  }
0x11: {  	v3 =	vld [tilespmem:$0x20]  }
0x12: {  	v4 =	vld [tilespmem:$0x0]  }
0x13: {  	v5 =	vld [tilespmem:$0x130]  }
0x14: {  	v6 =	vld [tilespmem:$0x80]  }
0x15: {  	v1 =	vshll.u32 v1, $0x1;
	v2 =	vshll.u32 v2, $0x1;
	v7 =	vld [tilespmem:$0x1F0]  }
0x16: {  	v0 =	vshll.u32 v0, $0x1;
	v3 =	vshll.u32 v3, $0x1;
	v8 =	vld [tilespmem:$0x1B0];
	[tilespmem:$0x1E0] =	vst v2  }
0x17: {  	v2 =	vshll.u32 v4, $0x1;
	[tilespmem:$0x20] =	vst v3;
	v3 =	vld [tilespmem:$0x170]  }
0x18: {  	v4 =	vshll.u32 v5, $0x1;
	v5 =	vld [tilespmem:$0x190];
	[tilespmem:$0x1D0] =	vst v1  }
0x19: {  	v1 =	vld [tilespmem:$0x40];
	[tilespmem:$0x1C0] =	vst v0  }
0x1a: {  	v0 =	vld [tilespmem:$0x50];
	[tilespmem:$0x130] =	vst v4;
	v4 =	vshll.u32 v7, $0x1  }
0x1b: {  	v7 =	vld [tilespmem:$0x60];
	v8 =	vshll.u32 v8, $0x1;
	[tilespmem:$0x1F0] =	vst v4  }
0x1c: {  	v4 =	vld [tilespmem:$0x70];
	v3 =	vshll.u32 v3, $0x1;
	[tilespmem:$0x1B0] =	vst v8  }
0x1d: {  	v8 =	vld [tilespmem:$0x160];
	[tilespmem:$0x170] =	vst v3;
	v3 =	vshll.u32 v5, $0x1  }
0x1e: {  	v1 =	vshll.u32 v1, $0x1;
	v5 =	vld [tilespmem:$0x90];
	[tilespmem:$0x190] =	vst v3  }
0x1f: {  	[tilespmem:$0x40] =	vst v1;
	v0 =	vshll.u32 v0, $0x1;
	v1 =	vld [tilespmem:$0x180]  }
0x20: {  	[tilespmem:$0x50] =	vst v0;
	v0 =	vshll.u32 v7, $0x1;
	v3 =	vld [tilespmem:$0xA0]  }
0x21: {  	[tilespmem:$0x60] =	vst v0;
	v0 =	vshll.u32 v4, $0x1;
	v4 =	vld [tilespmem:$0x150]  }
0x22: {  	v7 =	vld [tilespmem:$0x30];
	[tilespmem:$0x70] =	vst v0;
	v0 =	vshll.u32 v6, $0x1;
	v6 =	vshll.u32 v8, $0x1  }
0x23: {  	v8 =	vld [tilespmem:$0x140];
	[tilespmem:$0x160] =	vst v6  }
0x24: {  	[tilespmem:$0x80] =	vst v0;
	v0 =	vshll.u32 v5, $0x1;
	v5 =	vld [tilespmem:$0xC0];
	v1 =	vshll.u32 v1, $0x1  }
0x25: {  	v3 =	vshll.u32 v3, $0x1;
	v6 =	vld [tilespmem:$0xB0];
	[tilespmem:$0x180] =	vst v1  }
0x26: {  	[tilespmem:$0xA0] =	vst v3;
	v1 =	vld [tilespmem:$0xD0];
	v3 =	vshll.u32 v4, $0x1  }
0x27: {  	v4 =	vld [tilespmem:$0x120];
	[tilespmem:$0x150] =	vst v3  }
0x28: {  	v3 =	vshll.u32 v7, $0x1;
	[tilespmem:$0x90] =	vst v0;
	v0 =	vld [tilespmem:$0xE0];
	v7 =	vshll.u32 v8, $0x1  }
0x29: {  	v5 =	vshll.u32 v5, $0x1;
	v8 =	vld [tilespmem:$0x110];
	[tilespmem:$0x140] =	vst v7  }
0x2a: {  	v7 =	vld [tilespmem:$0x10];
	v6 =	vshll.u32 v6, $0x1;
	[tilespmem:$0xC0] =	vst v5  }
0x2b: {  	[tilespmem:$0xB0] =	vst v6;
	v5 =	vld [tilespmem:$0x100]  }
0x2c: {  	v1 =	vshll.u32 v1, $0x1;
	[tilespmem:$0x30] =	vst v3;
	v3 =	vshll.u32 v4, $0x1  }
0x2d: {  	v0 =	vshll.u32 v0, $0x1;
	[tilespmem:$0x120] =	vst v3  }
0x2e: {  	[tilespmem:$0xE0] =	vst v0;
	v0 =	vshll.u32 v8, $0x1;
	v3 =	vld [tilespmem:$0x1A0]  }
0x2f: {  	v4 =	vld [tilespmem:$0xF0];
	[tilespmem:$0x110] =	vst v0  }
0x30: {  	v0 =	vshll.u32 v7, $0x1;
	[tilespmem:$0xD0] =	vst v1;
	v1 =	vshll.u32 v5, $0x1  }
0x31: {  	[tilespmem:$0x100] =	vst v1  }
0x32: {  	[tilespmem:$0x10] =	vst v0  }
0x33: {  	[tilespmem:$0x0] =	vst v2;
	v0 =	vshll.u32 v3, $0x1  }
0x34: {  	v1 =	vshll.u32 v4, $0x1;
	[tilespmem:$0x1A0] =	vst v0  }
0x35: {  	[tilespmem:$0xF0] =	vst v1  }
0x36: {  	[tilespmem:s5], [sflag:$0x1] =	stream.indirect.gather [hbm4b:s6+s8], $0x10, s2, s8, $0xb8;
	[tilespmem:$0x2200] =	vst v63  }
0x37: {  	_ = 	snop  }
0x38: {  	[tilespmem:s9], [sflag:$0x1] =	stream.indirect.gather [hbm4b:s6+s8], $0x10, s8, s8, $0xb8;
	[tilespmem:$0x2200] =	vst v63  }
0x39: {  	_ = 	snop  }
0x3a: {  	[tilespmem:s11], [sflag:$0x1] =	stream.indirect.gather [hbm4b:s6+s8], $0x10, s10, s8, $0xb8;
	[tilespmem:$0x2200] =	vst v63  }
0x3b: {  	_ = 	snop  }
0x3c: {  	[tilespmem:s13], [sflag:$0x1] =	stream.indirect.gather [hbm4b:s6+s8], $0x10, s12, s8, $0xb8;
	[tilespmem:$0x2200] =	vst v63  }
0x3d: {  	_ =	swait.ge [sflag:s7], $0x800  }
0x3e: {  	[sflag:s7] =	ssyncset.done $0x0  }
0x3f: {  	[sflag:s7] =	ssyncadd.s32 $0xFFFFF800  }
0x40: {  	_ =	swait.ge [sflag:s7], $0x800  }
0x41: {  	[sflag:s7] =	ssyncset.done $0x0  }
0x42: {  	[sflag:s7] =	ssyncadd.s32 $0xFFFFF800  }
0x43: {  	_ =	swait.ge [sflag:s7], $0x800  }
0x44: {  	[sflag:s7] =	ssyncset.done $0x0  }
0x45: {  	[sflag:s7] =	ssyncadd.s32 $0xFFFFF800  }
0x46: {  	_ =	swait.ge [sflag:s7], $0x800  }
0x47: {  	[sflag:s7] =	ssyncset.done $0x0  }
0x48: {  	[sflag:s7] =	ssyncadd.s32 $0xFFFFF800  }
0x49: {  	[hbm4b:s4+s2] =	stream.linear.scatter [tilespmem:s5], [sflag:$0x2], $0x2000, $0x38;
	[tilespmem:$0x2200] =	vst v63  }
0x4a: {  	_ =	swait.ge [sflag:s3], $0x2000  }
0x4b: {  	[sflag:s3] =	ssyncset.done $0x0  }
0x4c: {  	[sflag:s3] =	ssyncadd.s32 $0xFFFFE000  }
0x4d: {  	[tilespmem:s2], [sflag:$0x2] =	stream.linear.gather [hbm4b:s14+s2], $0x200, $0x38;
	[tilespmem:$0x2200] =	vst v63  }
.Ltmp1:
0x4e: {  	_ =	swait.ge [sflag:s3], $0x200;
	(pc) =	sbr.rel @p0 .LBB2_1-.Ltmp1, $4  }
0x4f: {  	[sflag:s3] =	ssyncset.done $0x0  }
0x50: {  	[sflag:s3] =	ssyncadd.s32 $0xFFFFFE00  }
0x51: {  	v0 =	vld [tilespmem:$0x1C0]  }
0x52: {  	v1 =	vld [tilespmem:$0x1D0]  }
.LBB2_2:
0x53: {  	v2 =	vld [tilespmem:$0x1E0]  }
0x54: {  	v3 =	vld [tilespmem:$0x20]  }
0x55: {  	v4 =	vld [tilespmem:$0x130]  }
0x56: {  	v5 =	vld [tilespmem:$0x1F0];
	v0 =	vshll.u32 v0, $0x1  }
0x57: {  	v6 =	vld [tilespmem:$0x1B0];
	v1 =	vshll.u32 v1, $0x1;
	[tilespmem:$0x1C0] =	vst v0  }
0x58: {  	v23 =	vld [tilespmem:$0x190];
	v2 =	vshll.u32 v2, $0x1;
	[tilespmem:$0x1D0] =	vst v1  }
0x59: {  	v25 =	vld [tilespmem:$0x40];
	v3 =	vshll.u32 v3, $0x1;
	[tilespmem:$0x1E0] =	vst v2  }
0x5a: {  	v26 =	vld [tilespmem:$0x50];
	v24 =	vshll.u32 v4, $0x1;
	[tilespmem:$0x20] =	vst v3  }
0x5b: {  	v28 =	vld [tilespmem:$0x60];
	v27 =	vshll.u32 v5, $0x1;
	[tilespmem:$0x130] =	vst v24  }
0x5c: {  	v29 =	vld [tilespmem:$0x70];
	v6 =	vshll.u32 v6, $0x1;
	[tilespmem:$0x1F0] =	vst v27  }
0x5d: {  	v30 =	vld [tilespmem:$0x160];
	v31 =	vshll.u32 v23, $0x1;
	[tilespmem:$0x1B0] =	vst v6  }
0x5e: {  	v35 =	vld [tilespmem:$0xA0];
	v4 =	vshll.u32 v25, $0x1;
	[tilespmem:$0x190] =	vst v31  }
0x5f: {  	v37 =	vld [tilespmem:$0x150];
	v0 =	vshll.u32 v26, $0x1;
	[tilespmem:$0x40] =	vst v4  }
0x60: {  	v38 =	vld [tilespmem:$0x90];
	v34 =	vshll.u32 v28, $0x1;
	[tilespmem:$0x50] =	vst v0  }
0x61: {  	v40 =	vld [tilespmem:$0x140];
	v36 =	vshll.u32 v29, $0x1;
	[tilespmem:$0x60] =	vst v34  }
0x62: {  	v44 =	vld [tilespmem:$0x30];
	v39 =	vshll.u32 v30, $0x1;
	[tilespmem:$0x70] =	vst v36  }
0x63: {  	v46 =	vld [tilespmem:$0x120];
	v42 =	vshll.u32 v35, $0x1;
	[tilespmem:$0x160] =	vst v39  }
0x64: {  	v49 =	vld [tilespmem:$0x110];
	v1 =	vshll.u32 v37, $0x1;
	[tilespmem:$0xA0] =	vst v42  }
0x65: {  	v52 =	vld [tilespmem:$0x100];
	v45 =	vshll.u32 v38, $0x1;
	[tilespmem:$0x150] =	vst v1  }
0x66: {  	v53 =	vld [tilespmem:$0x10];
	v48 =	vshll.u32 v40, $0x1;
	[tilespmem:$0x90] =	vst v45  }
0x67: {  	v55 =	vld [tilespmem:$0x0];
	v51 =	vshll.u32 v44, $0x1;
	[tilespmem:$0x140] =	vst v48  }
0x68: {  	v57 =	vld [tilespmem:$0x1A0];
	v54 =	vshll.u32 v46, $0x1;
	[tilespmem:$0x30] =	vst v51  }
0x69: {  	v58 =	vld [tilespmem:$0xF0];
	v56 =	vshll.u32 v49, $0x1;
	[tilespmem:$0x120] =	vst v54  }
0x6a: {  	v22 =	vld [tilespmem:$0x170];
	v59 =	vshll.u32 v52, $0x1;
	[tilespmem:$0x110] =	vst v56  }
0x6b: {  	v32 =	vld [tilespmem:$0x80];
	v60 =	vshll.u32 v53, $0x1;
	[tilespmem:$0x100] =	vst v59  }
0x6c: {  	v41 =	vld [tilespmem:$0xC0];
	v61 =	vshll.u32 v55, $0x1;
	[tilespmem:$0x10] =	vst v60  }
0x6d: {  	v43 =	vld [tilespmem:$0xB0];
	v62 =	vshll.u32 v57, $0x1;
	[tilespmem:$0x0] =	vst v61  }
0x6e: {  	v47 =	vld [tilespmem:$0xE0];
	v63 =	vshll.u32 v58, $0x1;
	[tilespmem:$0x1A0] =	vst v62  }
0x6f: {  	v33 =	vld [tilespmem:$0x180];
	v2 =	vshll.u32 v22, $0x1;
	[tilespmem:$0xF0] =	vst v63  }
0x70: {  	v50 =	vld [tilespmem:$0xD0];
	v3 =	vshll.u32 v32, $0x1;
	[tilespmem:$0x170] =	vst v2  }
0x71: {  	v0 =	vshll.u32 v41, $0x1;
	[tilespmem:$0x80] =	vst v3  }
0x72: {  	v4 =	vshll.u32 v43, $0x1;
	[tilespmem:$0xC0] =	vst v0  }
0x73: {  	v1 =	vshll.u32 v47, $0x1;
	[tilespmem:$0xB0] =	vst v4  }
0x74: {  	v2 =	vshll.u32 v33, $0x1;
	[tilespmem:$0xE0] =	vst v1  }
0x75: {  	v3 =	vshll.u32 v50, $0x1;
	[tilespmem:$0x180] =	vst v2  }
0x76: {  	[tilespmem:$0xD0] =	vst v3  }
0x77: {  	[tilespmem:s5], [sflag:$0x1] =	stream.indirect.gather [hbm4b:s6+s8], $0x10, s2, s8, $0xb8;
	[tilespmem:$0x2200] =	vst v63  }
0x78: {  	_ = 	snop  }
0x79: {  	[tilespmem:s9], [sflag:$0x1] =	stream.indirect.gather [hbm4b:s6+s8], $0x10, s8, s8, $0xb8;
	[tilespmem:$0x2200] =	vst v63  }
0x7a: {  	_ = 	snop  }
0x7b: {  	[tilespmem:s11], [sflag:$0x1] =	stream.indirect.gather [hbm4b:s6+s8], $0x10, s10, s8, $0xb8;
	[tilespmem:$0x2200] =	vst v63  }
0x7c: {  	_ = 	snop  }
0x7d: {  	[tilespmem:s13], [sflag:$0x1] =	stream.indirect.gather [hbm4b:s6+s8], $0x10, s12, s8, $0xb8;
	[tilespmem:$0x2200] =	vst v63  }
0x7e: {  	_ =	swait.ge [sflag:s7], $0x800  }
0x7f: {  	[sflag:s7] =	ssyncset.done $0x0  }
0x80: {  	[sflag:s7] =	ssyncadd.s32 $0xFFFFF800  }
0x81: {  	_ =	swait.ge [sflag:s7], $0x800  }
0x82: {  	[sflag:s7] =	ssyncset.done $0x0  }
0x83: {  	[sflag:s7] =	ssyncadd.s32 $0xFFFFF800  }
0x84: {  	_ =	swait.ge [sflag:s7], $0x800  }
0x85: {  	[sflag:s7] =	ssyncset.done $0x0  }
0x86: {  	[sflag:s7] =	ssyncadd.s32 $0xFFFFF800  }
0x87: {  	_ =	swait.ge [sflag:s7], $0x800  }
0x88: {  	[sflag:s7] =	ssyncset.done $0x0  }
0x89: {  	[sflag:s7] =	ssyncadd.s32 $0xFFFFF800  }
0x8a: {  	[hbm4b:s4+s2] =	stream.linear.scatter [tilespmem:s5], [sflag:$0x2], $0x2000, $0x38;
	[tilespmem:$0x2200] =	vst v63  }
0x8b: {  	_ =	swait.ge [sflag:s3], $0x2000  }
0x8c: {  	[sflag:s3] =	ssyncset.done $0x0  }
0x8d: {  	[sflag:s3] =	ssyncadd.s32 $0xFFFFE000  }
0x8e: {  	_ =	sfence.sel $0x180000  }
0x8f: {  	[bflag:$0x0] =	sbarrier.arrive $0xFFFF  }
0x90: {  	p0 =	sne.s32 s1, $0x0;
	_ =	strace $0x90000047  }
0x91: {  	s0 =	sadd.s32 @!p0 $0x100000, s0;
	[bflag:$0x2] =	sbarrier.arrive $0xFFFF  }
0x92: {  	[sflag:s0] =	ssyncadd.tile.s32 @!p0 $0x1;
	_ =	shalt  }
.Lfunc_end2:
_tile_overlayer_lowered:
.L_overlay_start_2:
0x93: {  	(tag) =	ssettag $0x2  }
0x94: {  	s0 =	rddreg [dreg:$0x0];
	s2 =	stileid.u32  }
0x95: {  	s1 =	rddreg [dreg:$0x1];
	p0 =	sne.s32 s2, $0x0  }
0x96: {  	s3 =	rddreg [dreg:$0x2];
	[bflag:$0x3] =	sbarrier.arrive $0xFFFF;
	s2 =	simm.s32 @!p0 $0x1C02  }
0x97: {  	[timem:s3], [sflag:s2] =	dma.local @!p0 [hbm:s0], s1  }
0x98: {  	s0 =	simm.s32 @!p0 $0x2  }
0x99: {  	_ =	swait.ge @!p0 [sflag:s0], s1  }
0x9a: {  	s1 =	ssub.s32 @!p0 $0x0, s1;
	[sflag:s0] =	ssyncset.done @!p0 $0x0  }
0x9b: {  	[sflag:s0] =	ssyncadd.s32 @!p0 s1  }
0x9c: {  	[bflag:$0x3] =	sbarrier.arrive $0xFFFF  }
0x9d: {  	_ =	shalt  }

</sc_bundles>
